<compile_context>
chip_gen: v7x
topology: tpu7x:2x2x1
jax: 0.10.2.dev20260603
libtpu: 0.0.44.dev20260713+nightly
codegen_flags: <defaults>
</compile_context>

<pallas_src>
import functools

import jax
import jax.numpy as jnp
from jax import lax
from jax.experimental import pallas as pl
from jax.experimental.pallas import tpu as pltpu
from jax.experimental.pallas import tpu_sc as plsc

_NUM_EMB = 100000
_SIZE_EMB = 16
_NC = 2
_NS = 16
_NW = _NC * _NS
_L = 16

_CH = 512
_GSUB = 128
_K = _CH // _GSUB


def _make_kernel(n_pos, hw):
    per_w = n_pos // _NW
    n_chunks = per_w // _CH
    scale = float(_NUM_EMB - 1)

    mesh = plsc.VectorSubcoreMesh(core_axis_name="c", subcore_axis_name="s")

    @functools.partial(
        pl.kernel,
        out_type=jax.ShapeDtypeStruct((n_pos // hw * _SIZE_EMB, hw), jnp.float32),
        mesh=mesh,
        compiler_params=pltpu.CompilerParams(
            needs_layout_passes=False, use_tc_tiling_on_sc=False),
        scratch_types=[
            pltpu.VMEM((_CH,), jnp.float32),
            pltpu.VMEM((_CH,), jnp.float32),
            pltpu.VMEM((_K, _GSUB), jnp.int32),
            pltpu.VMEM((_K, _GSUB), jnp.int32),
            pltpu.VMEM((_CH, _SIZE_EMB), jnp.float32),
            pltpu.VMEM((_CH, _SIZE_EMB), jnp.float32),
            pltpu.VMEM((_SIZE_EMB, _CH + 1), jnp.float32),
            pltpu.VMEM_SHARED((_NUM_EMB, _SIZE_EMB), jnp.float32),
            pltpu.SemaphoreType.DMA,
            pltpu.SemaphoreType.DMA,
            pltpu.SemaphoreType.DMA,
            pltpu.SemaphoreType.DMA,
            pltpu.SemaphoreType.DMA,
        ],
    )
    def k(feat_hbm, table_hbm, out_hbm,
          feat0, feat1, idx0, idx1, rows0, rows1, outt, table_sp,
          fsem0, fsem1, gsem0, gsem1, osem):
        wid = lax.axis_index("s") * _NC + lax.axis_index("c")
        base = wid * per_w
        n_w_per_b = hw // per_w
        b = wid // n_w_per_b
        col0 = (wid % n_w_per_b) * per_w
        brow = b * _SIZE_EMB

        bufs = ((feat0, idx0, rows0, fsem0, gsem0),
                (feat1, idx1, rows1, fsem1, gsem1))

        def fire_feat(c, feat_v, fsem):
            pltpu.async_copy(feat_hbm.at[pl.ds(base + c * _CH, _CH)],
                             feat_v, fsem)

        def wait_feat(feat_v, fsem):
            pltpu.make_async_copy(feat_hbm.at[pl.ds(0, _CH)],
                                  feat_v, fsem).wait()

        def compute_idx(feat_v, idx_v):
            def idx_body(j, _):
                for g in range(_GSUB // _L):
                    v = feat_v[pl.ds(j * _GSUB + g * _L, _L)]
                    idx_v[j, pl.ds(g * _L, _L)] = (v * scale).astype(jnp.int32)
                return ()
            lax.fori_loop(0, _K, idx_body, (), unroll=False)

        def fire_gathers(idx_v, rows_v, gsem):
            for j in range(_K):
                pltpu.async_copy(table_sp.at[idx_v.at[j]],
                                 rows_v.at[pl.ds(j * _GSUB, _GSUB)], gsem)

        def wait_gathers(rows_v, gsem):
            pltpu.make_async_copy(table_hbm.at[pl.ds(0, _CH)],
                                  rows_v, gsem).wait()

        def transpose(rows_v, outt_v):
            lane = lax.iota(jnp.int32, _L)
            def tr_body(i, _):
                p0 = i * 8
                for u in range(8):
                    v = rows_v[p0 + u]
                    plsc.store_scatter(outt_v, [lane, jnp.full((_L,), 0, jnp.int32) + (p0 + u)], v)
                return ()
            lax.fori_loop(0, _CH // 8, tr_body, (), unroll=False)

        def fire_out(c, outt_v, osem):
            pltpu.async_copy(
                outt_v.at[:, pl.ds(0, _CH)],
                out_hbm.at[pl.ds(brow, _SIZE_EMB),
                           pl.ds(col0 + c * _CH, _CH)],
                osem)

        def wait_out(outt_v, osem):
            pltpu.make_async_copy(
                outt_v.at[:, pl.ds(0, _CH)],
                out_hbm.at[pl.ds(brow, _SIZE_EMB), pl.ds(col0, _CH)],
                osem).wait()

        def chunk_step(c, cur, nxt):
            feat_c, idx_c, rows_c, fsem_c, gsem_c = cur
            feat_n, idx_n, rows_n, fsem_n, gsem_n = nxt
            @pl.when(c + 1 < n_chunks)
            def _():
                wait_feat(feat_n, fsem_n)
                compute_idx(feat_n, idx_n)
                fire_gathers(idx_n, rows_n, gsem_n)
                @pl.when(c + 2 < n_chunks)
                def _():
                    fire_feat(c + 2, feat_c, fsem_c)
            wait_gathers(rows_c, gsem_c)
            @pl.when(c >= 1)
            def _():
                wait_out(outt, osem)
            transpose(rows_c, outt)
            fire_out(c, outt, osem)

        @pl.when(lax.axis_index("s") == 0)
        def _():
            pltpu.sync_copy(table_hbm, table_sp)
        plsc.subcore_barrier()

        fire_feat(0, feat0, fsem0)
        wait_feat(feat0, fsem0)
        compute_idx(feat0, idx0)
        fire_gathers(idx0, rows0, gsem0)
        fire_feat(1, feat1, fsem1)

        def pair_body(kk, _):
            chunk_step(2 * kk, bufs[0], bufs[1])
            chunk_step(2 * kk + 1, bufs[1], bufs[0])
            return ()
        lax.fori_loop(0, n_chunks // 2, pair_body, (), unroll=False)

        wait_out(outt, osem)

    return k


def kernel(feature, table):
    B, C, H, W = feature.shape
    hw = H * W
    n_pos = B * C * H * W
    feat_flat = feature.reshape(n_pos)
    out2d = _make_kernel(n_pos, hw)(feat_flat, table)
    return out2d.reshape(B, _SIZE_EMB, H, W)

# --- scband reference (transcript-rebuilt; emitter-appended) ---
"""Pipeline reference for scband-index-embedding-24343874634300 (READ-ONLY COPY).

The authoritative reference and input builder live on the scoring server;
editing this copy changes nothing except your own understanding.
"""

import jax, jax.numpy as jnp
import numpy as np

NUM_EMB = 100000
SIZE_EMB = 16
AMPLITUDE = 1.0
MIN_VALUE = 0.0


def setup_inputs(seed: int = 0) -> dict:
    key = jax.random.key(seed)
    k1, k2 = jax.random.split(key)
    feature = jax.random.uniform(k1, (16, 1, 512, 512), dtype=jnp.float32)
    # nn.Embedding default init ~ N(0, 1); init_jet=False so weights are random
    table = jax.random.normal(k2, (NUM_EMB, SIZE_EMB), dtype=jnp.float32)
    return {"feature": feature, "table": table}


def reference(feature, table):
    B, C, H, W = feature.shape
    f = (feature - MIN_VALUE) / AMPLITUDE
    idx = (f * (NUM_EMB - 1)).astype(jnp.int32).reshape(1, -1)
    x = jnp.take(table, idx, axis=0)  # [1, N, SIZE_EMB]
    x = x.reshape(B, H, W, -1)
    # torch: transpose(1,3).transpose(2,3) == permute(0,3,1,2)
    x = jnp.transpose(x, (0, 3, 1, 2))
    return x

if __name__ == "__main__":
    import jax
    _d = setup_inputs()
    print(jax.jit(kernel)(*tuple(_d.values())))

</pallas_src>

<mosaic_0001>
#map = affine_map<(d0, d1) -> (0)>
#map1 = affine_map<(d0, d1) -> (0, 0)>
module attributes {stable_mosaic.version = 14 : i64} {
  func.func @k(%arg0: i32, %arg1: i32, %arg2: memref<4194304xf32, #tpu.memory_space<hbm>>, %arg3: memref<100000x16xf32, #tpu.memory_space<hbm>>, %arg4: memref<256x262144xf32, #tpu.memory_space<hbm>>, %arg5: memref<512xf32, #tpu.memory_space<vmem>>, %arg6: memref<512xf32, #tpu.memory_space<vmem>>, %arg7: memref<4x128xi32, #tpu.memory_space<vmem>>, %arg8: memref<4x128xi32, #tpu.memory_space<vmem>>, %arg9: memref<512x16xf32, #tpu.memory_space<vmem>>, %arg10: memref<512x16xf32, #tpu.memory_space<vmem>>, %arg11: memref<16x513xf32, #tpu.memory_space<vmem>>, %arg12: memref<100000x16xf32, #tpu.memory_space<vmem_shared>>, %arg13: memref<!tpu.dma_semaphore, #tpu.memory_space<semaphore_mem>>, %arg14: memref<!tpu.dma_semaphore, #tpu.memory_space<semaphore_mem>>, %arg15: memref<!tpu.dma_semaphore, #tpu.memory_space<semaphore_mem>>, %arg16: memref<!tpu.dma_semaphore, #tpu.memory_space<semaphore_mem>>, %arg17: memref<!tpu.dma_semaphore, #tpu.memory_space<semaphore_mem>>) attributes {dimension_semantics = [#tpu.dimension_semantics<core_parallel>, #tpu.dimension_semantics<subcore_parallel>], iteration_bounds = array<i64: 2, 16>, scalar_prefetch = 0 : i64, scratch_operands = 13 : i64, tpu.core_type = #tpu.core_type<sc_vector_subcore>, window_params = [{transform_indices = #map}, {transform_indices = #map1}, {transform_indices = #map1}]} {
    %mul3A = arith.constant 2 : i32
    %mul3A_0 = arith.muli %arg1, %mul3A : i32
    %add3A = arith.addi %mul3A_0, %arg0 : i32
    %mul3A_1 = arith.constant 131072 : i32
    %mul3A_2 = arith.muli %add3A, %mul3A_1 : i32
    %jit3A = arith.constant 2 : i32
    %div3A = arith.divsi %add3A, %jit3A : i32
    %sign3A = arith.constant 0 : i32
    %sign3A_3 = arith.cmpi sgt, %add3A, %sign3A : i32
    %sign3A_4 = arith.extui %sign3A_3 : i1 to i32
    %sign3A_5 = arith.constant 0 : i32
    %sign3A_6 = arith.cmpi slt, %add3A, %sign3A_5 : i32
    %sign3A_7 = arith.extui %sign3A_6 : i1 to i32
    %sign3A_8 = arith.subi %sign3A_4, %sign3A_7 : i32
    %sign3A_9 = arith.constant 0 : i32
    %sign3A_10 = arith.cmpi sgt, %jit3A, %sign3A_9 : i32
    %sign3A_11 = arith.extui %sign3A_10 : i1 to i32
    %sign3A_12 = arith.constant 0 : i32
    %sign3A_13 = arith.cmpi slt, %jit3A, %sign3A_12 : i32
    %sign3A_14 = arith.extui %sign3A_13 : i1 to i32
    %sign3A_15 = arith.subi %sign3A_11, %sign3A_14 : i32
    %ne3A = arith.cmpi ne, %sign3A_8, %sign3A_15 : i32
    %rem3A = arith.remsi %add3A, %jit3A : i32
    %ne3A_16 = arith.constant 0 : i32
    %ne3A_17 = arith.cmpi ne, %rem3A, %ne3A_16 : i32
    %and3A = arith.andi %ne3A, %ne3A_17 : i1
    %sub3A = arith.constant 1 : i32
    %sub3A_18 = arith.subi %div3A, %sub3A : i32
    %select_n3A = arith.select %and3A, %sub3A_18, %div3A : i32
    %jit3A_19 = arith.constant 2 : i32
    %eq3A = arith.constant 0 : i32
    %eq3A_20 = arith.cmpi eq, %jit3A_19, %eq3A : i32
    %jit3A_21 = arith.constant 1 : i32
    %select_n3A_22 = arith.select %eq3A_20, %jit3A_21, %jit3A_19 : i32
    %rem3A_23 = arith.remsi %add3A, %select_n3A_22 : i32
    %ne3A_24 = arith.constant 0 : i32
    %ne3A_25 = arith.cmpi ne, %rem3A_23, %ne3A_24 : i32
    %lt3A = arith.constant 0 : i32
    %lt3A_26 = arith.cmpi slt, %rem3A_23, %lt3A : i32
    %lt3A_27 = arith.constant 0 : i32
    %lt3A_28 = arith.cmpi slt, %select_n3A_22, %lt3A_27 : i32
    %ne3A_29 = arith.xori %lt3A_26, %lt3A_28 : i1
    %and3A_30 = arith.andi %ne3A_29, %ne3A_25 : i1
    %add3A_31 = arith.addi %rem3A_23, %select_n3A_22 : i32
    %select_n3A_32 = arith.select %and3A_30, %add3A_31, %rem3A_23 : i32
    %mul3A_33 = arith.constant 131072 : i32
    %mul3A_34 = arith.muli %select_n3A_32, %mul3A_33 : i32
    %mul3A_35 = arith.constant 16 : i32
    %mul3A_36 = arith.muli %select_n3A, %mul3A_35 : i32
    %eq3A_37 = arith.constant 0 : i32
    %eq3A_38 = arith.cmpi eq, %arg1, %eq3A_37 : i32
    %convert_element_type3A = arith.extui %eq3A_38 : i1 to i32
    %cond3A = arith.constant 0 : i32
    %cond3A_39 = arith.cmpi ne, %convert_element_type3A, %cond3A : i32
    scf.if %cond3A_39 {
      "tpu.region"() ({
        %run_scoped3A = tpu.sem_alloc : memref<!tpu.dma_semaphore, #tpu.memory_space<semaphore_mem>>
        tpu.enqueue_dma source(%arg3 : memref<100000x16xf32, #tpu.memory_space<hbm>>) target(%arg12 : memref<100000x16xf32, #tpu.memory_space<vmem_shared>>) target_semaphore(%run_scoped3A : memref<!tpu.dma_semaphore, #tpu.memory_space<semaphore_mem>>)
        tpu.wait_dma2 semaphore(%run_scoped3A : memref<!tpu.dma_semaphore, #tpu.memory_space<semaphore_mem>>) src(%arg3 : memref<100000x16xf32, #tpu.memory_space<hbm>>) dst(%arg12 : memref<100000x16xf32, #tpu.memory_space<vmem_shared>>)
        tpu.yield
      }) : () -> ()
    } else {
    }
    %barrier3A = arith.constant 0 : index
    tpu.barrier barrier_id(%barrier3A)
    %add3A_40 = arith.constant 0 : i32
    %add3A_41 = arith.addi %mul3A_2, %add3A_40 : i32
    %dma_start3A = tpu.memref_slice %arg2[%add3A_41] : memref<4194304xf32, #tpu.memory_space<hbm>> -> memref<512xf32, #tpu.memory_space<hbm>>
    %dma_start3A_42 = tpu.memref_slice %arg2[%add3A_41] : memref<4194304xf32, #tpu.memory_space<hbm>> -> memref<512xf32, #tpu.memory_space<hbm>>
    tpu.enqueue_dma source(%dma_start3A_42 : memref<512xf32, #tpu.memory_space<hbm>>) target(%arg5 : memref<512xf32, #tpu.memory_space<vmem>>) target_semaphore(%arg13 : memref<!tpu.dma_semaphore, #tpu.memory_space<semaphore_mem>>)
    %dma_wait3A = arith.constant 0 : i32
    %dma_wait3A_43 = tpu.memref_slice %arg2[%dma_wait3A] : memref<4194304xf32, #tpu.memory_space<hbm>> -> memref<512xf32, #tpu.memory_space<hbm>>
    %dma_wait3A_44 = arith.constant 0 : i32
    %dma_wait3A_45 = tpu.memref_slice %arg2[%dma_wait3A_44] : memref<4194304xf32, #tpu.memory_space<hbm>> -> memref<512xf32, #tpu.memory_space<hbm>>
    tpu.wait_dma2 semaphore(%arg13 : memref<!tpu.dma_semaphore, #tpu.memory_space<semaphore_mem>>) src(%dma_wait3A_45 : memref<512xf32, #tpu.memory_space<hbm>>) dst(%arg5 : memref<512xf32, #tpu.memory_space<vmem>>)
    %scan3A = arith.constant 0 : i32
    %scan3A_46 = arith.constant 4 : i32
    %scan3A_47 = arith.addi %scan3A, %scan3A_46 : i32
    %scan3A_48 = arith.constant 1 : i32
    scf.for %scan3A_107 = %scan3A to %scan3A_47 step %scan3A_48  : i32 {
      %mul3A_108 = arith.constant 128 : i32
      %mul3A_109 = arith.muli %scan3A_107, %mul3A_108 : i32
      %add3A_110 = arith.constant 0 : i32
      %add3A_111 = arith.addi %mul3A_109, %add3A_110 : i32
      %get3A = arith.index_cast %add3A_111 : i32 to index
      %get3A_112 = tpu.vector_load %arg5[%get3A] {strides = array<i32>} : memref<512xf32, #tpu.memory_space<vmem>>, vector<16xf32>,
      %mul3A_113 = arith.constant 9.999900e+04 : f32
      %mul3A_114 = vector.broadcast %mul3A_113 : f32 to vector<16xf32>
      %mul3A_115 = arith.mulf %get3A_112, %mul3A_114 : vector<16xf32>
      %convert_element_type3A_116 = arith.fptosi %mul3A_115 : vector<16xf32> to vector<16xi32>
      %swap3A = arith.index_cast %scan3A_107 : i32 to index
      %swap3A_117 = arith.constant 0 : index
      %swap3A_118 = tpu.vector_load %arg7[%swap3A, %swap3A_117] {strides = array<i32>} : memref<4x128xi32, #tpu.memory_space<vmem>>, vector<16xi32>,
      tpu.vector_store %arg7[%swap3A, %swap3A_117], %convert_element_type3A_116 {strides = array<i32>} : memref<4x128xi32, #tpu.memory_space<vmem>>, vector<16xi32>,
      %mul3A_119 = arith.constant 128 : i32
      %mul3A_120 = arith.muli %scan3A_107, %mul3A_119 : i32
      %add3A_121 = arith.constant 16 : i32
      %add3A_122 = arith.addi %mul3A_120, %add3A_121 : i32
      %get3A_123 = arith.index_cast %add3A_122 : i32 to index
      %get3A_124 = tpu.vector_load %arg5[%get3A_123] {strides = array<i32>} : memref<512xf32, #tpu.memory_space<vmem>>, vector<16xf32>,
      %mul3A_125 = arith.constant 9.999900e+04 : f32
      %mul3A_126 = vector.broadcast %mul3A_125 : f32 to vector<16xf32>
      %mul3A_127 = arith.mulf %get3A_124, %mul3A_126 : vector<16xf32>
      %convert_element_type3A_128 = arith.fptosi %mul3A_127 : vector<16xf32> to vector<16xi32>
      %swap3A_129 = arith.index_cast %scan3A_107 : i32 to index
      %swap3A_130 = arith.constant 16 : index
      %swap3A_131 = tpu.vector_load %arg7[%swap3A_129, %swap3A_130] {strides = array<i32>} : memref<4x128xi32, #tpu.memory_space<vmem>>, vector<16xi32>,
      tpu.vector_store %arg7[%swap3A_129, %swap3A_130], %convert_element_type3A_128 {strides = array<i32>} : memref<4x128xi32, #tpu.memory_space<vmem>>, vector<16xi32>,
      %mul3A_132 = arith.constant 128 : i32
      %mul3A_133 = arith.muli %scan3A_107, %mul3A_132 : i32
      %add3A_134 = arith.constant 32 : i32
      %add3A_135 = arith.addi %mul3A_133, %add3A_134 : i32
      %get3A_136 = arith.index_cast %add3A_135 : i32 to index
      %get3A_137 = tpu.vector_load %arg5[%get3A_136] {strides = array<i32>} : memref<512xf32, #tpu.memory_space<vmem>>, vector<16xf32>,
      %mul3A_138 = arith.constant 9.999900e+04 : f32
      %mul3A_139 = vector.broadcast %mul3A_138 : f32 to vector<16xf32>
      %mul3A_140 = arith.mulf %get3A_137, %mul3A_139 : vector<16xf32>
      %convert_element_type3A_141 = arith.fptosi %mul3A_140 : vector<16xf32> to vector<16xi32>
      %swap3A_142 = arith.index_cast %scan3A_107 : i32 to index
      %swap3A_143 = arith.constant 32 : index
      %swap3A_144 = tpu.vector_load %arg7[%swap3A_142, %swap3A_143] {strides = array<i32>} : memref<4x128xi32, #tpu.memory_space<vmem>>, vector<16xi32>,
      tpu.vector_store %arg7[%swap3A_142, %swap3A_143], %convert_element_type3A_141 {strides = array<i32>} : memref<4x128xi32, #tpu.memory_space<vmem>>, vector<16xi32>,
      %mul3A_145 = arith.constant 128 : i32
      %mul3A_146 = arith.muli %scan3A_107, %mul3A_145 : i32
      %add3A_147 = arith.constant 48 : i32
      %add3A_148 = arith.addi %mul3A_146, %add3A_147 : i32
      %get3A_149 = arith.index_cast %add3A_148 : i32 to index
      %get3A_150 = tpu.vector_load %arg5[%get3A_149] {strides = array<i32>} : memref<512xf32, #tpu.memory_space<vmem>>, vector<16xf32>,
      %mul3A_151 = arith.constant 9.999900e+04 : f32
      %mul3A_152 = vector.broadcast %mul3A_151 : f32 to vector<16xf32>
      %mul3A_153 = arith.mulf %get3A_150, %mul3A_152 : vector<16xf32>
      %convert_element_type3A_154 = arith.fptosi %mul3A_153 : vector<16xf32> to vector<16xi32>
      %swap3A_155 = arith.index_cast %scan3A_107 : i32 to index
      %swap3A_156 = arith.constant 48 : index
      %swap3A_157 = tpu.vector_load %arg7[%swap3A_155, %swap3A_156] {strides = array<i32>} : memref<4x128xi32, #tpu.memory_space<vmem>>, vector<16xi32>,
      tpu.vector_store %arg7[%swap3A_155, %swap3A_156], %convert_element_type3A_154 {strides = array<i32>} : memref<4x128xi32, #tpu.memory_space<vmem>>, vector<16xi32>,
      %mul3A_158 = arith.constant 128 : i32
      %mul3A_159 = arith.muli %scan3A_107, %mul3A_158 : i32
      %add3A_160 = arith.constant 64 : i32
      %add3A_161 = arith.addi %mul3A_159, %add3A_160 : i32
      %get3A_162 = arith.index_cast %add3A_161 : i32 to index
      %get3A_163 = tpu.vector_load %arg5[%get3A_162] {strides = array<i32>} : memref<512xf32, #tpu.memory_space<vmem>>, vector<16xf32>,
      %mul3A_164 = arith.constant 9.999900e+04 : f32
      %mul3A_165 = vector.broadcast %mul3A_164 : f32 to vector<16xf32>
      %mul3A_166 = arith.mulf %get3A_163, %mul3A_165 : vector<16xf32>
      %convert_element_type3A_167 = arith.fptosi %mul3A_166 : vector<16xf32> to vector<16xi32>
      %swap3A_168 = arith.index_cast %scan3A_107 : i32 to index
      %swap3A_169 = arith.constant 64 : index
      %swap3A_170 = tpu.vector_load %arg7[%swap3A_168, %swap3A_169] {strides = array<i32>} : memref<4x128xi32, #tpu.memory_space<vmem>>, vector<16xi32>,
      tpu.vector_store %arg7[%swap3A_168, %swap3A_169], %convert_element_type3A_167 {strides = array<i32>} : memref<4x128xi32, #tpu.memory_space<vmem>>, vector<16xi32>,
      %mul3A_171 = arith.constant 128 : i32
      %mul3A_172 = arith.muli %scan3A_107, %mul3A_171 : i32
      %add3A_173 = arith.constant 80 : i32
      %add3A_174 = arith.addi %mul3A_172, %add3A_173 : i32
      %get3A_175 = arith.index_cast %add3A_174 : i32 to index
      %get3A_176 = tpu.vector_load %arg5[%get3A_175] {strides = array<i32>} : memref<512xf32, #tpu.memory_space<vmem>>, vector<16xf32>,
      %mul3A_177 = arith.constant 9.999900e+04 : f32
      %mul3A_178 = vector.broadcast %mul3A_177 : f32 to vector<16xf32>
      %mul3A_179 = arith.mulf %get3A_176, %mul3A_178 : vector<16xf32>
      %convert_element_type3A_180 = arith.fptosi %mul3A_179 : vector<16xf32> to vector<16xi32>
      %swap3A_181 = arith.index_cast %scan3A_107 : i32 to index
      %swap3A_182 = arith.constant 80 : index
      %swap3A_183 = tpu.vector_load %arg7[%swap3A_181, %swap3A_182] {strides = array<i32>} : memref<4x128xi32, #tpu.memory_space<vmem>>, vector<16xi32>,
      tpu.vector_store %arg7[%swap3A_181, %swap3A_182], %convert_element_type3A_180 {strides = array<i32>} : memref<4x128xi32, #tpu.memory_space<vmem>>, vector<16xi32>,
      %mul3A_184 = arith.constant 128 : i32
      %mul3A_185 = arith.muli %scan3A_107, %mul3A_184 : i32
      %add3A_186 = arith.constant 96 : i32
      %add3A_187 = arith.addi %mul3A_185, %add3A_186 : i32
      %get3A_188 = arith.index_cast %add3A_187 : i32 to index
      %get3A_189 = tpu.vector_load %arg5[%get3A_188] {strides = array<i32>} : memref<512xf32, #tpu.memory_space<vmem>>, vector<16xf32>,
      %mul3A_190 = arith.constant 9.999900e+04 : f32
      %mul3A_191 = vector.broadcast %mul3A_190 : f32 to vector<16xf32>
      %mul3A_192 = arith.mulf %get3A_189, %mul3A_191 : vector<16xf32>
      %convert_element_type3A_193 = arith.fptosi %mul3A_192 : vector<16xf32> to vector<16xi32>
      %swap3A_194 = arith.index_cast %scan3A_107 : i32 to index
      %swap3A_195 = arith.constant 96 : index
      %swap3A_196 = tpu.vector_load %arg7[%swap3A_194, %swap3A_195] {strides = array<i32>} : memref<4x128xi32, #tpu.memory_space<vmem>>, vector<16xi32>,
      tpu.vector_store %arg7[%swap3A_194, %swap3A_195], %convert_element_type3A_193 {strides = array<i32>} : memref<4x128xi32, #tpu.memory_space<vmem>>, vector<16xi32>,
      %mul3A_197 = arith.constant 128 : i32
      %mul3A_198 = arith.muli %scan3A_107, %mul3A_197 : i32
      %add3A_199 = arith.constant 112 : i32
      %add3A_200 = arith.addi %mul3A_198, %add3A_199 : i32
      %get3A_201 = arith.index_cast %add3A_200 : i32 to index
      %get3A_202 = tpu.vector_load %arg5[%get3A_201] {strides = array<i32>} : memref<512xf32, #tpu.memory_space<vmem>>, vector<16xf32>,
      %mul3A_203 = arith.constant 9.999900e+04 : f32
      %mul3A_204 = vector.broadcast %mul3A_203 : f32 to vector<16xf32>
      %mul3A_205 = arith.mulf %get3A_202, %mul3A_204 : vector<16xf32>
      %convert_element_type3A_206 = arith.fptosi %mul3A_205 : vector<16xf32> to vector<16xi32>
      %swap3A_207 = arith.index_cast %scan3A_107 : i32 to index
      %swap3A_208 = arith.constant 112 : index
      %swap3A_209 = tpu.vector_load %arg7[%swap3A_207, %swap3A_208] {strides = array<i32>} : memref<4x128xi32, #tpu.memory_space<vmem>>, vector<16xi32>,
      tpu.vector_store %arg7[%swap3A_207, %swap3A_208], %convert_element_type3A_206 {strides = array<i32>} : memref<4x128xi32, #tpu.memory_space<vmem>>, vector<16xi32>,
    }
    %scan3A_49 = arith.constant 4 : i32
    %dma_start3A_50 = arith.constant 0 : i32
    %dma_start3A_51 = arith.constant 0 : i32
    %dma_start3A_52 = arith.constant 0 : i32
    %dma_start3A_53 = tpu.memref_slice %arg9[%dma_start3A_51, %dma_start3A_52] : memref<512x16xf32, #tpu.memory_space<vmem>> -> memref<128x16xf32, #tpu.memory_space<vmem>>
    %dma_start3A_54 = arith.constant 0 : i32
    %dma_start3A_55 = tpu.memref_slice %arg7[%dma_start3A_50, %dma_start3A_54] : memref<4x128xi32, #tpu.memory_space<vmem>> -> memref<1x128xi32, #tpu.memory_space<vmem>>
    %dma_start3A_56 = tpu.memref_squeeze %dma_start3A_55 : memref<1x128xi32, #tpu.memory_space<vmem>> -> memref<128xi32, #tpu.memory_space<vmem>>
    %dma_start3A_57 = arith.constant 0 : i32
    %dma_start3A_58 = arith.constant 0 : i32
    %dma_start3A_59 = tpu.memref_slice %arg12[%dma_start3A_57, %dma_start3A_58] : memref<100000x16xf32, #tpu.memory_space<vmem_shared>> -> memref<100000x16xf32, #tpu.memory_space<vmem_shared>>
    tpu.enqueue_indirect_dma source(%dma_start3A_59 : memref<100000x16xf32, #tpu.memory_space<vmem_shared>>) target(%dma_start3A_53 : memref<128x16xf32, #tpu.memory_space<vmem>>) offsets(%dma_start3A_56 : memref<128xi32, #tpu.memory_space<vmem>>) semaphore(%arg15 : memref<!tpu.dma_semaphore, #tpu.memory_space<semaphore_mem>>)
    %dma_start3A_60 = arith.constant 1 : i32
    %dma_start3A_61 = arith.constant 128 : i32
    %dma_start3A_62 = arith.constant 0 : i32
    %dma_start3A_63 = tpu.memref_slice %arg9[%dma_start3A_61, %dma_start3A_62] : memref<512x16xf32, #tpu.memory_space<vmem>> -> memref<128x16xf32, #tpu.memory_space<vmem>>
    %dma_start3A_64 = arith.constant 0 : i32
    %dma_start3A_65 = tpu.memref_slice %arg7[%dma_start3A_60, %dma_start3A_64] : memref<4x128xi32, #tpu.memory_space<vmem>> -> memref<1x128xi32, #tpu.memory_space<vmem>>
    %dma_start3A_66 = tpu.memref_squeeze %dma_start3A_65 : memref<1x128xi32, #tpu.memory_space<vmem>> -> memref<128xi32, #tpu.memory_space<vmem>>
    %dma_start3A_67 = arith.constant 0 : i32
    %dma_start3A_68 = arith.constant 0 : i32
    %dma_start3A_69 = tpu.memref_slice %arg12[%dma_start3A_67, %dma_start3A_68] : memref<100000x16xf32, #tpu.memory_space<vmem_shared>> -> memref<100000x16xf32, #tpu.memory_space<vmem_shared>>
    tpu.enqueue_indirect_dma source(%dma_start3A_69 : memref<100000x16xf32, #tpu.memory_space<vmem_shared>>) target(%dma_start3A_63 : memref<128x16xf32, #tpu.memory_space<vmem>>) offsets(%dma_start3A_66 : memref<128xi32, #tpu.memory_space<vmem>>) semaphore(%arg15 : memref<!tpu.dma_semaphore, #tpu.memory_space<semaphore_mem>>)
    %dma_start3A_70 = arith.constant 2 : i32
    %dma_start3A_71 = arith.constant 256 : i32
    %dma_start3A_72 = arith.constant 0 : i32
    %dma_start3A_73 = tpu.memref_slice %arg9[%dma_start3A_71, %dma_start3A_72] : memref<512x16xf32, #tpu.memory_space<vmem>> -> memref<128x16xf32, #tpu.memory_space<vmem>>
    %dma_start3A_74 = arith.constant 0 : i32
    %dma_start3A_75 = tpu.memref_slice %arg7[%dma_start3A_70, %dma_start3A_74] : memref<4x128xi32, #tpu.memory_space<vmem>> -> memref<1x128xi32, #tpu.memory_space<vmem>>
    %dma_start3A_76 = tpu.memref_squeeze %dma_start3A_75 : memref<1x128xi32, #tpu.memory_space<vmem>> -> memref<128xi32, #tpu.memory_space<vmem>>
    %dma_start3A_77 = arith.constant 0 : i32
    %dma_start3A_78 = arith.constant 0 : i32
    %dma_start3A_79 = tpu.memref_slice %arg12[%dma_start3A_77, %dma_start3A_78] : memref<100000x16xf32, #tpu.memory_space<vmem_shared>> -> memref<100000x16xf32, #tpu.memory_space<vmem_shared>>
    tpu.enqueue_indirect_dma source(%dma_start3A_79 : memref<100000x16xf32, #tpu.memory_space<vmem_shared>>) target(%dma_start3A_73 : memref<128x16xf32, #tpu.memory_space<vmem>>) offsets(%dma_start3A_76 : memref<128xi32, #tpu.memory_space<vmem>>) semaphore(%arg15 : memref<!tpu.dma_semaphore, #tpu.memory_space<semaphore_mem>>)
    %dma_start3A_80 = arith.constant 3 : i32
    %dma_start3A_81 = arith.constant 384 : i32
    %dma_start3A_82 = arith.constant 0 : i32
    %dma_start3A_83 = tpu.memref_slice %arg9[%dma_start3A_81, %dma_start3A_82] : memref<512x16xf32, #tpu.memory_space<vmem>> -> memref<128x16xf32, #tpu.memory_space<vmem>>
    %dma_start3A_84 = arith.constant 0 : i32
    %dma_start3A_85 = tpu.memref_slice %arg7[%dma_start3A_80, %dma_start3A_84] : memref<4x128xi32, #tpu.memory_space<vmem>> -> memref<1x128xi32, #tpu.memory_space<vmem>>
    %dma_start3A_86 = tpu.memref_squeeze %dma_start3A_85 : memref<1x128xi32, #tpu.memory_space<vmem>> -> memref<128xi32, #tpu.memory_space<vmem>>
    %dma_start3A_87 = arith.constant 0 : i32
    %dma_start3A_88 = arith.constant 0 : i32
    %dma_start3A_89 = tpu.memref_slice %arg12[%dma_start3A_87, %dma_start3A_88] : memref<100000x16xf32, #tpu.memory_space<vmem_shared>> -> memref<100000x16xf32, #tpu.memory_space<vmem_shared>>
    tpu.enqueue_indirect_dma source(%dma_start3A_89 : memref<100000x16xf32, #tpu.memory_space<vmem_shared>>) target(%dma_start3A_83 : memref<128x16xf32, #tpu.memory_space<vmem>>) offsets(%dma_start3A_86 : memref<128xi32, #tpu.memory_space<vmem>>) semaphore(%arg15 : memref<!tpu.dma_semaphore, #tpu.memory_space<semaphore_mem>>)
    %add3A_90 = arith.constant 512 : i32
    %add3A_91 = arith.addi %mul3A_2, %add3A_90 : i32
    %dma_start3A_92 = tpu.memref_slice %arg2[%add3A_91] : memref<4194304xf32, #tpu.memory_space<hbm>> -> memref<512xf32, #tpu.memory_space<hbm>>
    %dma_start3A_93 = tpu.memref_slice %arg2[%add3A_91] : memref<4194304xf32, #tpu.memory_space<hbm>> -> memref<512xf32, #tpu.memory_space<hbm>>
    tpu.enqueue_dma source(%dma_start3A_93 : memref<512xf32, #tpu.memory_space<hbm>>) target(%arg6 : memref<512xf32, #tpu.memory_space<vmem>>) target_semaphore(%arg14 : memref<!tpu.dma_semaphore, #tpu.memory_space<semaphore_mem>>)
    %scan3A_94 = arith.constant 0 : i32
    %scan3A_95 = arith.constant 128 : i32
    %scan3A_96 = arith.addi %scan3A_94, %scan3A_95 : i32
    %scan3A_97 = arith.constant 1 : i32
    scf.for %scan3A_107 = %scan3A_94 to %scan3A_96 step %scan3A_97  : i32 {
      %mul3A_108 = arith.constant 2 : i32
      %mul3A_109 = arith.muli %mul3A_108, %scan3A_107 : i32
      %add3A_110 = arith.constant 1 : i32
      %add3A_111 = arith.addi %mul3A_109, %add3A_110 : i32
      %lt3A_112 = arith.constant 256 : i32
      %lt3A_113 = arith.cmpi slt, %add3A_111, %lt3A_112 : i32
      %convert_element_type3A_114 = arith.extui %lt3A_113 : i1 to i32
      %cond3A_115 = arith.constant 0 : i32
      %cond3A_116 = arith.cmpi ne, %convert_element_type3A_114, %cond3A_115 : i32
      scf.if %cond3A_116 {
        %dma_wait3A_182 = arith.constant 0 : i32
        %dma_wait3A_183 = tpu.memref_slice %arg2[%dma_wait3A_182] : memref<4194304xf32, #tpu.memory_space<hbm>> -> memref<512xf32, #tpu.memory_space<hbm>>
        %dma_wait3A_184 = arith.constant 0 : i32
        %dma_wait3A_185 = tpu.memref_slice %arg2[%dma_wait3A_184] : memref<4194304xf32, #tpu.memory_space<hbm>> -> memref<512xf32, #tpu.memory_space<hbm>>
        tpu.wait_dma2 semaphore(%arg14 : memref<!tpu.dma_semaphore, #tpu.memory_space<semaphore_mem>>) src(%dma_wait3A_185 : memref<512xf32, #tpu.memory_space<hbm>>) dst(%arg6 : memref<512xf32, #tpu.memory_space<vmem>>)
        %scan3A_186 = arith.constant 0 : i32
        %scan3A_187 = arith.constant 4 : i32
        %scan3A_188 = arith.addi %scan3A_186, %scan3A_187 : i32
        %scan3A_189 = arith.constant 1 : i32
        scf.for %scan3A_238 = %scan3A_186 to %scan3A_188 step %scan3A_189  : i32 {
          %mul3A_239 = arith.constant 128 : i32
          %mul3A_240 = arith.muli %scan3A_238, %mul3A_239 : i32
          %add3A_241 = arith.constant 0 : i32
          %add3A_242 = arith.addi %mul3A_240, %add3A_241 : i32
          %get3A = arith.index_cast %add3A_242 : i32 to index
          %get3A_243 = tpu.vector_load %arg6[%get3A] {strides = array<i32>} : memref<512xf32, #tpu.memory_space<vmem>>, vector<16xf32>,
          %mul3A_244 = arith.constant 9.999900e+04 : f32
          %mul3A_245 = vector.broadcast %mul3A_244 : f32 to vector<16xf32>
          %mul3A_246 = arith.mulf %get3A_243, %mul3A_245 : vector<16xf32>
          %convert_element_type3A_247 = arith.fptosi %mul3A_246 : vector<16xf32> to vector<16xi32>
          %swap3A = arith.index_cast %scan3A_238 : i32 to index
          %swap3A_248 = arith.constant 0 : index
          %swap3A_249 = tpu.vector_load %arg8[%swap3A, %swap3A_248] {strides = array<i32>} : memref<4x128xi32, #tpu.memory_space<vmem>>, vector<16xi32>,
          tpu.vector_store %arg8[%swap3A, %swap3A_248], %convert_element_type3A_247 {strides = array<i32>} : memref<4x128xi32, #tpu.memory_space<vmem>>, vector<16xi32>,
          %mul3A_250 = arith.constant 128 : i32
          %mul3A_251 = arith.muli %scan3A_238, %mul3A_250 : i32
          %add3A_252 = arith.constant 16 : i32
          %add3A_253 = arith.addi %mul3A_251, %add3A_252 : i32
          %get3A_254 = arith.index_cast %add3A_253 : i32 to index
          %get3A_255 = tpu.vector_load %arg6[%get3A_254] {strides = array<i32>} : memref<512xf32, #tpu.memory_space<vmem>>, vector<16xf32>,
          %mul3A_256 = arith.constant 9.999900e+04 : f32
          %mul3A_257 = vector.broadcast %mul3A_256 : f32 to vector<16xf32>
          %mul3A_258 = arith.mulf %get3A_255, %mul3A_257 : vector<16xf32>
          %convert_element_type3A_259 = arith.fptosi %mul3A_258 : vector<16xf32> to vector<16xi32>
          %swap3A_260 = arith.index_cast %scan3A_238 : i32 to index
          %swap3A_261 = arith.constant 16 : index
          %swap3A_262 = tpu.vector_load %arg8[%swap3A_260, %swap3A_261] {strides = array<i32>} : memref<4x128xi32, #tpu.memory_space<vmem>>, vector<16xi32>,
          tpu.vector_store %arg8[%swap3A_260, %swap3A_261], %convert_element_type3A_259 {strides = array<i32>} : memref<4x128xi32, #tpu.memory_space<vmem>>, vector<16xi32>,
          %mul3A_263 = arith.constant 128 : i32
          %mul3A_264 = arith.muli %scan3A_238, %mul3A_263 : i32
          %add3A_265 = arith.constant 32 : i32
          %add3A_266 = arith.addi %mul3A_264, %add3A_265 : i32
          %get3A_267 = arith.index_cast %add3A_266 : i32 to index
          %get3A_268 = tpu.vector_load %arg6[%get3A_267] {strides = array<i32>} : memref<512xf32, #tpu.memory_space<vmem>>, vector<16xf32>,
          %mul3A_269 = arith.constant 9.999900e+04 : f32
          %mul3A_270 = vector.broadcast %mul3A_269 : f32 to vector<16xf32>
          %mul3A_271 = arith.mulf %get3A_268, %mul3A_270 : vector<16xf32>
          %convert_element_type3A_272 = arith.fptosi %mul3A_271 : vector<16xf32> to vector<16xi32>
          %swap3A_273 = arith.index_cast %scan3A_238 : i32 to index
          %swap3A_274 = arith.constant 32 : index
          %swap3A_275 = tpu.vector_load %arg8[%swap3A_273, %swap3A_274] {strides = array<i32>} : memref<4x128xi32, #tpu.memory_space<vmem>>, vector<16xi32>,
          tpu.vector_store %arg8[%swap3A_273, %swap3A_274], %convert_element_type3A_272 {strides = array<i32>} : memref<4x128xi32, #tpu.memory_space<vmem>>, vector<16xi32>,
          %mul3A_276 = arith.constant 128 : i32
          %mul3A_277 = arith.muli %scan3A_238, %mul3A_276 : i32
          %add3A_278 = arith.constant 48 : i32
          %add3A_279 = arith.addi %mul3A_277, %add3A_278 : i32
          %get3A_280 = arith.index_cast %add3A_279 : i32 to index
          %get3A_281 = tpu.vector_load %arg6[%get3A_280] {strides = array<i32>} : memref<512xf32, #tpu.memory_space<vmem>>, vector<16xf32>,
          %mul3A_282 = arith.constant 9.999900e+04 : f32
          %mul3A_283 = vector.broadcast %mul3A_282 : f32 to vector<16xf32>
          %mul3A_284 = arith.mulf %get3A_281, %mul3A_283 : vector<16xf32>
          %convert_element_type3A_285 = arith.fptosi %mul3A_284 : vector<16xf32> to vector<16xi32>
          %swap3A_286 = arith.index_cast %scan3A_238 : i32 to index
          %swap3A_287 = arith.constant 48 : index
          %swap3A_288 = tpu.vector_load %arg8[%swap3A_286, %swap3A_287] {strides = array<i32>} : memref<4x128xi32, #tpu.memory_space<vmem>>, vector<16xi32>,
          tpu.vector_store %arg8[%swap3A_286, %swap3A_287], %convert_element_type3A_285 {strides = array<i32>} : memref<4x128xi32, #tpu.memory_space<vmem>>, vector<16xi32>,
          %mul3A_289 = arith.constant 128 : i32
          %mul3A_290 = arith.muli %scan3A_238, %mul3A_289 : i32
          %add3A_291 = arith.constant 64 : i32
          %add3A_292 = arith.addi %mul3A_290, %add3A_291 : i32
          %get3A_293 = arith.index_cast %add3A_292 : i32 to index
          %get3A_294 = tpu.vector_load %arg6[%get3A_293] {strides = array<i32>} : memref<512xf32, #tpu.memory_space<vmem>>, vector<16xf32>,
          %mul3A_295 = arith.constant 9.999900e+04 : f32
          %mul3A_296 = vector.broadcast %mul3A_295 : f32 to vector<16xf32>
          %mul3A_297 = arith.mulf %get3A_294, %mul3A_296 : vector<16xf32>
          %convert_element_type3A_298 = arith.fptosi %mul3A_297 : vector<16xf32> to vector<16xi32>
          %swap3A_299 = arith.index_cast %scan3A_238 : i32 to index
          %swap3A_300 = arith.constant 64 : index
          %swap3A_301 = tpu.vector_load %arg8[%swap3A_299, %swap3A_300] {strides = array<i32>} : memref<4x128xi32, #tpu.memory_space<vmem>>, vector<16xi32>,
          tpu.vector_store %arg8[%swap3A_299, %swap3A_300], %convert_element_type3A_298 {strides = array<i32>} : memref<4x128xi32, #tpu.memory_space<vmem>>, vector<16xi32>,
          %mul3A_302 = arith.constant 128 : i32
          %mul3A_303 = arith.muli %scan3A_238, %mul3A_302 : i32
          %add3A_304 = arith.constant 80 : i32
          %add3A_305 = arith.addi %mul3A_303, %add3A_304 : i32
          %get3A_306 = arith.index_cast %add3A_305 : i32 to index
          %get3A_307 = tpu.vector_load %arg6[%get3A_306] {strides = array<i32>} : memref<512xf32, #tpu.memory_space<vmem>>, vector<16xf32>,
          %mul3A_308 = arith.constant 9.999900e+04 : f32
          %mul3A_309 = vector.broadcast %mul3A_308 : f32 to vector<16xf32>
          %mul3A_310 = arith.mulf %get3A_307, %mul3A_309 : vector<16xf32>
          %convert_element_type3A_311 = arith.fptosi %mul3A_310 : vector<16xf32> to vector<16xi32>
          %swap3A_312 = arith.index_cast %scan3A_238 : i32 to index
          %swap3A_313 = arith.constant 80 : index
          %swap3A_314 = tpu.vector_load %arg8[%swap3A_312, %swap3A_313] {strides = array<i32>} : memref<4x128xi32, #tpu.memory_space<vmem>>, vector<16xi32>,
          tpu.vector_store %arg8[%swap3A_312, %swap3A_313], %convert_element_type3A_311 {strides = array<i32>} : memref<4x128xi32, #tpu.memory_space<vmem>>, vector<16xi32>,
          %mul3A_315 = arith.constant 128 : i32
          %mul3A_316 = arith.muli %scan3A_238, %mul3A_315 : i32
          %add3A_317 = arith.constant 96 : i32
          %add3A_318 = arith.addi %mul3A_316, %add3A_317 : i32
          %get3A_319 = arith.index_cast %add3A_318 : i32 to index
          %get3A_320 = tpu.vector_load %arg6[%get3A_319] {strides = array<i32>} : memref<512xf32, #tpu.memory_space<vmem>>, vector<16xf32>,
          %mul3A_321 = arith.constant 9.999900e+04 : f32
          %mul3A_322 = vector.broadcast %mul3A_321 : f32 to vector<16xf32>
          %mul3A_323 = arith.mulf %get3A_320, %mul3A_322 : vector<16xf32>
          %convert_element_type3A_324 = arith.fptosi %mul3A_323 : vector<16xf32> to vector<16xi32>
          %swap3A_325 = arith.index_cast %scan3A_238 : i32 to index
          %swap3A_326 = arith.constant 96 : index
          %swap3A_327 = tpu.vector_load %arg8[%swap3A_325, %swap3A_326] {strides = array<i32>} : memref<4x128xi32, #tpu.memory_space<vmem>>, vector<16xi32>,
          tpu.vector_store %arg8[%swap3A_325, %swap3A_326], %convert_element_type3A_324 {strides = array<i32>} : memref<4x128xi32, #tpu.memory_space<vmem>>, vector<16xi32>,
          %mul3A_328 = arith.constant 128 : i32
          %mul3A_329 = arith.muli %scan3A_238, %mul3A_328 : i32
          %add3A_330 = arith.constant 112 : i32
          %add3A_331 = arith.addi %mul3A_329, %add3A_330 : i32
          %get3A_332 = arith.index_cast %add3A_331 : i32 to index
          %get3A_333 = tpu.vector_load %arg6[%get3A_332] {strides = array<i32>} : memref<512xf32, #tpu.memory_space<vmem>>, vector<16xf32>,
          %mul3A_334 = arith.constant 9.999900e+04 : f32
          %mul3A_335 = vector.broadcast %mul3A_334 : f32 to vector<16xf32>
          %mul3A_336 = arith.mulf %get3A_333, %mul3A_335 : vector<16xf32>
          %convert_element_type3A_337 = arith.fptosi %mul3A_336 : vector<16xf32> to vector<16xi32>
          %swap3A_338 = arith.index_cast %scan3A_238 : i32 to index
          %swap3A_339 = arith.constant 112 : index
          %swap3A_340 = tpu.vector_load %arg8[%swap3A_338, %swap3A_339] {strides = array<i32>} : memref<4x128xi32, #tpu.memory_space<vmem>>, vector<16xi32>,
          tpu.vector_store %arg8[%swap3A_338, %swap3A_339], %convert_element_type3A_337 {strides = array<i32>} : memref<4x128xi32, #tpu.memory_space<vmem>>, vector<16xi32>,
        }
        %scan3A_190 = arith.constant 4 : i32
        %dma_start3A_191 = arith.constant 0 : i32
        %dma_start3A_192 = arith.constant 0 : i32
        %dma_start3A_193 = arith.constant 0 : i32
        %dma_start3A_194 = tpu.memref_slice %arg10[%dma_start3A_192, %dma_start3A_193] : memref<512x16xf32, #tpu.memory_space<vmem>> -> memref<128x16xf32, #tpu.memory_space<vmem>>
        %dma_start3A_195 = arith.constant 0 : i32
        %dma_start3A_196 = tpu.memref_slice %arg8[%dma_start3A_191, %dma_start3A_195] : memref<4x128xi32, #tpu.memory_space<vmem>> -> memref<1x128xi32, #tpu.memory_space<vmem>>
        %dma_start3A_197 = tpu.memref_squeeze %dma_start3A_196 : memref<1x128xi32, #tpu.memory_space<vmem>> -> memref<128xi32, #tpu.memory_space<vmem>>
        %dma_start3A_198 = arith.constant 0 : i32
        %dma_start3A_199 = arith.constant 0 : i32
        %dma_start3A_200 = tpu.memref_slice %arg12[%dma_start3A_198, %dma_start3A_199] : memref<100000x16xf32, #tpu.memory_space<vmem_shared>> -> memref<100000x16xf32, #tpu.memory_space<vmem_shared>>
        tpu.enqueue_indirect_dma source(%dma_start3A_200 : memref<100000x16xf32, #tpu.memory_space<vmem_shared>>) target(%dma_start3A_194 : memref<128x16xf32, #tpu.memory_space<vmem>>) offsets(%dma_start3A_197 : memref<128xi32, #tpu.memory_space<vmem>>) semaphore(%arg16 : memref<!tpu.dma_semaphore, #tpu.memory_space<semaphore_mem>>)
        %dma_start3A_201 = arith.constant 1 : i32
        %dma_start3A_202 = arith.constant 128 : i32
        %dma_start3A_203 = arith.constant 0 : i32
        %dma_start3A_204 = tpu.memref_slice %arg10[%dma_start3A_202, %dma_start3A_203] : memref<512x16xf32, #tpu.memory_space<vmem>> -> memref<128x16xf32, #tpu.memory_space<vmem>>
        %dma_start3A_205 = arith.constant 0 : i32
        %dma_start3A_206 = tpu.memref_slice %arg8[%dma_start3A_201, %dma_start3A_205] : memref<4x128xi32, #tpu.memory_space<vmem>> -> memref<1x128xi32, #tpu.memory_space<vmem>>
        %dma_start3A_207 = tpu.memref_squeeze %dma_start3A_206 : memref<1x128xi32, #tpu.memory_space<vmem>> -> memref<128xi32, #tpu.memory_space<vmem>>
        %dma_start3A_208 = arith.constant 0 : i32
        %dma_start3A_209 = arith.constant 0 : i32
        %dma_start3A_210 = tpu.memref_slice %arg12[%dma_start3A_208, %dma_start3A_209] : memref<100000x16xf32, #tpu.memory_space<vmem_shared>> -> memref<100000x16xf32, #tpu.memory_space<vmem_shared>>
        tpu.enqueue_indirect_dma source(%dma_start3A_210 : memref<100000x16xf32, #tpu.memory_space<vmem_shared>>) target(%dma_start3A_204 : memref<128x16xf32, #tpu.memory_space<vmem>>) offsets(%dma_start3A_207 : memref<128xi32, #tpu.memory_space<vmem>>) semaphore(%arg16 : memref<!tpu.dma_semaphore, #tpu.memory_space<semaphore_mem>>)
        %dma_start3A_211 = arith.constant 2 : i32
        %dma_start3A_212 = arith.constant 256 : i32
        %dma_start3A_213 = arith.constant 0 : i32
        %dma_start3A_214 = tpu.memref_slice %arg10[%dma_start3A_212, %dma_start3A_213] : memref<512x16xf32, #tpu.memory_space<vmem>> -> memref<128x16xf32, #tpu.memory_space<vmem>>
        %dma_start3A_215 = arith.constant 0 : i32
        %dma_start3A_216 = tpu.memref_slice %arg8[%dma_start3A_211, %dma_start3A_215] : memref<4x128xi32, #tpu.memory_space<vmem>> -> memref<1x128xi32, #tpu.memory_space<vmem>>
        %dma_start3A_217 = tpu.memref_squeeze %dma_start3A_216 : memref<1x128xi32, #tpu.memory_space<vmem>> -> memref<128xi32, #tpu.memory_space<vmem>>
        %dma_start3A_218 = arith.constant 0 : i32
        %dma_start3A_219 = arith.constant 0 : i32
        %dma_start3A_220 = tpu.memref_slice %arg12[%dma_start3A_218, %dma_start3A_219] : memref<100000x16xf32, #tpu.memory_space<vmem_shared>> -> memref<100000x16xf32, #tpu.memory_space<vmem_shared>>
        tpu.enqueue_indirect_dma source(%dma_start3A_220 : memref<100000x16xf32, #tpu.memory_space<vmem_shared>>) target(%dma_start3A_214 : memref<128x16xf32, #tpu.memory_space<vmem>>) offsets(%dma_start3A_217 : memref<128xi32, #tpu.memory_space<vmem>>) semaphore(%arg16 : memref<!tpu.dma_semaphore, #tpu.memory_space<semaphore_mem>>)
        %dma_start3A_221 = arith.constant 3 : i32
        %dma_start3A_222 = arith.constant 384 : i32
        %dma_start3A_223 = arith.constant 0 : i32
        %dma_start3A_224 = tpu.memref_slice %arg10[%dma_start3A_222, %dma_start3A_223] : memref<512x16xf32, #tpu.memory_space<vmem>> -> memref<128x16xf32, #tpu.memory_space<vmem>>
        %dma_start3A_225 = arith.constant 0 : i32
        %dma_start3A_226 = tpu.memref_slice %arg8[%dma_start3A_221, %dma_start3A_225] : memref<4x128xi32, #tpu.memory_space<vmem>> -> memref<1x128xi32, #tpu.memory_space<vmem>>
        %dma_start3A_227 = tpu.memref_squeeze %dma_start3A_226 : memref<1x128xi32, #tpu.memory_space<vmem>> -> memref<128xi32, #tpu.memory_space<vmem>>
        %dma_start3A_228 = arith.constant 0 : i32
        %dma_start3A_229 = arith.constant 0 : i32
        %dma_start3A_230 = tpu.memref_slice %arg12[%dma_start3A_228, %dma_start3A_229] : memref<100000x16xf32, #tpu.memory_space<vmem_shared>> -> memref<100000x16xf32, #tpu.memory_space<vmem_shared>>
        tpu.enqueue_indirect_dma source(%dma_start3A_230 : memref<100000x16xf32, #tpu.memory_space<vmem_shared>>) target(%dma_start3A_224 : memref<128x16xf32, #tpu.memory_space<vmem>>) offsets(%dma_start3A_227 : memref<128xi32, #tpu.memory_space<vmem>>) semaphore(%arg16 : memref<!tpu.dma_semaphore, #tpu.memory_space<semaphore_mem>>)
        %add3A_231 = arith.constant 2 : i32
        %add3A_232 = arith.addi %mul3A_109, %add3A_231 : i32
        %lt3A_233 = arith.constant 256 : i32
        %lt3A_234 = arith.cmpi slt, %add3A_232, %lt3A_233 : i32
        %convert_element_type3A_235 = arith.extui %lt3A_234 : i1 to i32
        %cond3A_236 = arith.constant 0 : i32
        %cond3A_237 = arith.cmpi ne, %convert_element_type3A_235, %cond3A_236 : i32
        scf.if %cond3A_237 {
          %add3A_238 = arith.constant 2 : i32
          %add3A_239 = arith.addi %mul3A_109, %add3A_238 : i32
          %mul3A_240 = arith.constant 512 : i32
          %mul3A_241 = arith.muli %add3A_239, %mul3A_240 : i32
          %add3A_242 = arith.addi %mul3A_2, %mul3A_241 : i32
          %dma_start3A_243 = tpu.memref_slice %arg2[%add3A_242] : memref<4194304xf32, #tpu.memory_space<hbm>> -> memref<512xf32, #tpu.memory_space<hbm>>
          %dma_start3A_244 = tpu.memref_slice %arg2[%add3A_242] : memref<4194304xf32, #tpu.memory_space<hbm>> -> memref<512xf32, #tpu.memory_space<hbm>>
          tpu.enqueue_dma source(%dma_start3A_244 : memref<512xf32, #tpu.memory_space<hbm>>) target(%arg5 : memref<512xf32, #tpu.memory_space<vmem>>) target_semaphore(%arg13 : memref<!tpu.dma_semaphore, #tpu.memory_space<semaphore_mem>>)
        } else {
        }
      } else {
      }
      %dma_wait3A_117 = arith.constant 0 : i32
      %dma_wait3A_118 = arith.constant 0 : i32
      %dma_wait3A_119 = tpu.memref_slice %arg3[%dma_wait3A_117, %dma_wait3A_118] : memref<100000x16xf32, #tpu.memory_space<hbm>> -> memref<512x16xf32, #tpu.memory_space<hbm>>
      %dma_wait3A_120 = arith.constant 0 : i32
      %dma_wait3A_121 = arith.constant 0 : i32
      %dma_wait3A_122 = tpu.memref_slice %arg3[%dma_wait3A_120, %dma_wait3A_121] : memref<100000x16xf32, #tpu.memory_space<hbm>> -> memref<512x16xf32, #tpu.memory_space<hbm>>
      tpu.wait_dma2 semaphore(%arg15 : memref<!tpu.dma_semaphore, #tpu.memory_space<semaphore_mem>>) src(%dma_wait3A_122 : memref<512x16xf32, #tpu.memory_space<hbm>>) dst(%arg9 : memref<512x16xf32, #tpu.memory_space<vmem>>)
      %ge3A = arith.constant 1 : i32
      %ge3A_123 = arith.cmpi sge, %mul3A_109, %ge3A : i32
      %convert_element_type3A_124 = arith.extui %ge3A_123 : i1 to i32
      %cond3A_125 = arith.constant 0 : i32
      %cond3A_126 = arith.cmpi ne, %convert_element_type3A_124, %cond3A_125 : i32
      scf.if %cond3A_126 {
        %dma_wait3A_182 = arith.constant 0 : i32
        %dma_wait3A_183 = arith.constant 0 : i32
        %dma_wait3A_184 = tpu.memref_slice %arg11[%dma_wait3A_182, %dma_wait3A_183] : memref<16x513xf32, #tpu.memory_space<vmem>> -> memref<16x512xf32, #tpu.memory_space<vmem>>
        %dma_wait3A_185 = tpu.memref_slice %arg4[%mul3A_36, %mul3A_34] : memref<256x262144xf32, #tpu.memory_space<hbm>> -> memref<16x512xf32, #tpu.memory_space<hbm>>
        %dma_wait3A_186 = tpu.memref_slice %arg4[%mul3A_36, %mul3A_34] : memref<256x262144xf32, #tpu.memory_space<hbm>> -> memref<16x512xf32, #tpu.memory_space<hbm>>
        %dma_wait3A_187 = arith.constant 0 : i32
        %dma_wait3A_188 = arith.constant 0 : i32
        %dma_wait3A_189 = tpu.memref_slice %arg11[%dma_wait3A_187, %dma_wait3A_188] : memref<16x513xf32, #tpu.memory_space<vmem>> -> memref<16x512xf32, #tpu.memory_space<vmem>>
        tpu.wait_dma2 semaphore(%arg17 : memref<!tpu.dma_semaphore, #tpu.memory_space<semaphore_mem>>) src(%dma_wait3A_189 : memref<16x512xf32, #tpu.memory_space<vmem>>) dst(%dma_wait3A_186 : memref<16x512xf32, #tpu.memory_space<hbm>>)
      } else {
      }
      %iota3A = tpu.iota {dimensions = array<i32: 0>} : vector<16xi32>
      %scan3A_127 = arith.constant 0 : i32
      %scan3A_128 = arith.constant 64 : i32
      %scan3A_129 = arith.addi %scan3A_127, %scan3A_128 : i32
      %scan3A_130 = arith.constant 1 : i32
      scf.for %scan3A_182 = %scan3A_127 to %scan3A_129 step %scan3A_130  : i32 {
        %mul3A_183 = arith.constant 8 : i32
        %mul3A_184 = arith.muli %scan3A_182, %mul3A_183 : i32
        %add3A_185 = arith.constant 0 : i32
        %add3A_186 = arith.addi %mul3A_184, %add3A_185 : i32
        %get3A = arith.index_cast %add3A_186 : i32 to index
        %get3A_187 = arith.constant 0 : index
        %get3A_188 = tpu.vector_load %arg9[%get3A, %get3A_187] {strides = array<i32>} : memref<512x16xf32, #tpu.memory_space<vmem>>, vector<16xf32>,
        %broadcast_in_dim3A = arith.constant 0 : i32
        %broadcast_in_dim3A_189 = vector.broadcast %broadcast_in_dim3A : i32 to vector<16xi32>
        %add3A_190 = arith.constant 0 : i32
        %add3A_191 = arith.addi %mul3A_184, %add3A_190 : i32
        %add3A_192 = vector.broadcast %add3A_191 : i32 to vector<16xi32>
        %add3A_193 = arith.addi %broadcast_in_dim3A_189, %add3A_192 : vector<16xi32>
        tpu.vector_store_idx %arg11[%iota3A, %add3A_193], %get3A_188 : memref<16x513xf32, #tpu.memory_space<vmem>>[vector<16xi32>, vector<16xi32>], vector<16xf32>,
        %add3A_194 = arith.constant 1 : i32
        %add3A_195 = arith.addi %mul3A_184, %add3A_194 : i32
        %get3A_196 = arith.index_cast %add3A_195 : i32 to index
        %get3A_197 = arith.constant 0 : index
        %get3A_198 = tpu.vector_load %arg9[%get3A_196, %get3A_197] {strides = array<i32>} : memref<512x16xf32, #tpu.memory_space<vmem>>, vector<16xf32>,
        %broadcast_in_dim3A_199 = arith.constant 0 : i32
        %broadcast_in_dim3A_200 = vector.broadcast %broadcast_in_dim3A_199 : i32 to vector<16xi32>
        %add3A_201 = arith.constant 1 : i32
        %add3A_202 = arith.addi %mul3A_184, %add3A_201 : i32
        %add3A_203 = vector.broadcast %add3A_202 : i32 to vector<16xi32>
        %add3A_204 = arith.addi %broadcast_in_dim3A_200, %add3A_203 : vector<16xi32>
        tpu.vector_store_idx %arg11[%iota3A, %add3A_204], %get3A_198 : memref<16x513xf32, #tpu.memory_space<vmem>>[vector<16xi32>, vector<16xi32>], vector<16xf32>,
        %add3A_205 = arith.constant 2 : i32
        %add3A_206 = arith.addi %mul3A_184, %add3A_205 : i32
        %get3A_207 = arith.index_cast %add3A_206 : i32 to index
        %get3A_208 = arith.constant 0 : index
        %get3A_209 = tpu.vector_load %arg9[%get3A_207, %get3A_208] {strides = array<i32>} : memref<512x16xf32, #tpu.memory_space<vmem>>, vector<16xf32>,
        %broadcast_in_dim3A_210 = arith.constant 0 : i32
        %broadcast_in_dim3A_211 = vector.broadcast %broadcast_in_dim3A_210 : i32 to vector<16xi32>
        %add3A_212 = arith.constant 2 : i32
        %add3A_213 = arith.addi %mul3A_184, %add3A_212 : i32
        %add3A_214 = vector.broadcast %add3A_213 : i32 to vector<16xi32>
        %add3A_215 = arith.addi %broadcast_in_dim3A_211, %add3A_214 : vector<16xi32>
        tpu.vector_store_idx %arg11[%iota3A, %add3A_215], %get3A_209 : memref<16x513xf32, #tpu.memory_space<vmem>>[vector<16xi32>, vector<16xi32>], vector<16xf32>,
        %add3A_216 = arith.constant 3 : i32
        %add3A_217 = arith.addi %mul3A_184, %add3A_216 : i32
        %get3A_218 = arith.index_cast %add3A_217 : i32 to index
        %get3A_219 = arith.constant 0 : index
        %get3A_220 = tpu.vector_load %arg9[%get3A_218, %get3A_219] {strides = array<i32>} : memref<512x16xf32, #tpu.memory_space<vmem>>, vector<16xf32>,
        %broadcast_in_dim3A_221 = arith.constant 0 : i32
        %broadcast_in_dim3A_222 = vector.broadcast %broadcast_in_dim3A_221 : i32 to vector<16xi32>
        %add3A_223 = arith.constant 3 : i32
        %add3A_224 = arith.addi %mul3A_184, %add3A_223 : i32
        %add3A_225 = vector.broadcast %add3A_224 : i32 to vector<16xi32>
        %add3A_226 = arith.addi %broadcast_in_dim3A_222, %add3A_225 : vector<16xi32>
        tpu.vector_store_idx %arg11[%iota3A, %add3A_226], %get3A_220 : memref<16x513xf32, #tpu.memory_space<vmem>>[vector<16xi32>, vector<16xi32>], vector<16xf32>,
        %add3A_227 = arith.constant 4 : i32
        %add3A_228 = arith.addi %mul3A_184, %add3A_227 : i32
        %get3A_229 = arith.index_cast %add3A_228 : i32 to index
        %get3A_230 = arith.constant 0 : index
        %get3A_231 = tpu.vector_load %arg9[%get3A_229, %get3A_230] {strides = array<i32>} : memref<512x16xf32, #tpu.memory_space<vmem>>, vector<16xf32>,
        %broadcast_in_dim3A_232 = arith.constant 0 : i32
        %broadcast_in_dim3A_233 = vector.broadcast %broadcast_in_dim3A_232 : i32 to vector<16xi32>
        %add3A_234 = arith.constant 4 : i32
        %add3A_235 = arith.addi %mul3A_184, %add3A_234 : i32
        %add3A_236 = vector.broadcast %add3A_235 : i32 to vector<16xi32>
        %add3A_237 = arith.addi %broadcast_in_dim3A_233, %add3A_236 : vector<16xi32>
        tpu.vector_store_idx %arg11[%iota3A, %add3A_237], %get3A_231 : memref<16x513xf32, #tpu.memory_space<vmem>>[vector<16xi32>, vector<16xi32>], vector<16xf32>,
        %add3A_238 = arith.constant 5 : i32
        %add3A_239 = arith.addi %mul3A_184, %add3A_238 : i32
        %get3A_240 = arith.index_cast %add3A_239 : i32 to index
        %get3A_241 = arith.constant 0 : index
        %get3A_242 = tpu.vector_load %arg9[%get3A_240, %get3A_241] {strides = array<i32>} : memref<512x16xf32, #tpu.memory_space<vmem>>, vector<16xf32>,
        %broadcast_in_dim3A_243 = arith.constant 0 : i32
        %broadcast_in_dim3A_244 = vector.broadcast %broadcast_in_dim3A_243 : i32 to vector<16xi32>
        %add3A_245 = arith.constant 5 : i32
        %add3A_246 = arith.addi %mul3A_184, %add3A_245 : i32
        %add3A_247 = vector.broadcast %add3A_246 : i32 to vector<16xi32>
        %add3A_248 = arith.addi %broadcast_in_dim3A_244, %add3A_247 : vector<16xi32>
        tpu.vector_store_idx %arg11[%iota3A, %add3A_248], %get3A_242 : memref<16x513xf32, #tpu.memory_space<vmem>>[vector<16xi32>, vector<16xi32>], vector<16xf32>,
        %add3A_249 = arith.constant 6 : i32
        %add3A_250 = arith.addi %mul3A_184, %add3A_249 : i32
        %get3A_251 = arith.index_cast %add3A_250 : i32 to index
        %get3A_252 = arith.constant 0 : index
        %get3A_253 = tpu.vector_load %arg9[%get3A_251, %get3A_252] {strides = array<i32>} : memref<512x16xf32, #tpu.memory_space<vmem>>, vector<16xf32>,
        %broadcast_in_dim3A_254 = arith.constant 0 : i32
        %broadcast_in_dim3A_255 = vector.broadcast %broadcast_in_dim3A_254 : i32 to vector<16xi32>
        %add3A_256 = arith.constant 6 : i32
        %add3A_257 = arith.addi %mul3A_184, %add3A_256 : i32
        %add3A_258 = vector.broadcast %add3A_257 : i32 to vector<16xi32>
        %add3A_259 = arith.addi %broadcast_in_dim3A_255, %add3A_258 : vector<16xi32>
        tpu.vector_store_idx %arg11[%iota3A, %add3A_259], %get3A_253 : memref<16x513xf32, #tpu.memory_space<vmem>>[vector<16xi32>, vector<16xi32>], vector<16xf32>,
        %add3A_260 = arith.constant 7 : i32
        %add3A_261 = arith.addi %mul3A_184, %add3A_260 : i32
        %get3A_262 = arith.index_cast %add3A_261 : i32 to index
        %get3A_263 = arith.constant 0 : index
        %get3A_264 = tpu.vector_load %arg9[%get3A_262, %get3A_263] {strides = array<i32>} : memref<512x16xf32, #tpu.memory_space<vmem>>, vector<16xf32>,
        %broadcast_in_dim3A_265 = arith.constant 0 : i32
        %broadcast_in_dim3A_266 = vector.broadcast %broadcast_in_dim3A_265 : i32 to vector<16xi32>
        %add3A_267 = arith.constant 7 : i32
        %add3A_268 = arith.addi %mul3A_184, %add3A_267 : i32
        %add3A_269 = vector.broadcast %add3A_268 : i32 to vector<16xi32>
        %add3A_270 = arith.addi %broadcast_in_dim3A_266, %add3A_269 : vector<16xi32>
        tpu.vector_store_idx %arg11[%iota3A, %add3A_270], %get3A_264 : memref<16x513xf32, #tpu.memory_space<vmem>>[vector<16xi32>, vector<16xi32>], vector<16xf32>,
      }
      %scan3A_131 = arith.constant 64 : i32
      %mul3A_132 = arith.constant 512 : i32
      %mul3A_133 = arith.muli %mul3A_109, %mul3A_132 : i32
      %add3A_134 = arith.addi %mul3A_34, %mul3A_133 : i32
      %dma_start3A_135 = arith.constant 0 : i32
      %dma_start3A_136 = arith.constant 0 : i32
      %dma_start3A_137 = tpu.memref_slice %arg11[%dma_start3A_135, %dma_start3A_136] : memref<16x513xf32, #tpu.memory_space<vmem>> -> memref<16x512xf32, #tpu.memory_space<vmem>>
      %dma_start3A_138 = tpu.memref_slice %arg4[%mul3A_36, %add3A_134] : memref<256x262144xf32, #tpu.memory_space<hbm>> -> memref<16x512xf32, #tpu.memory_space<hbm>>
      %dma_start3A_139 = tpu.memref_slice %arg4[%mul3A_36, %add3A_134] : memref<256x262144xf32, #tpu.memory_space<hbm>> -> memref<16x512xf32, #tpu.memory_space<hbm>>
      %dma_start3A_140 = arith.constant 0 : i32
      %dma_start3A_141 = arith.constant 0 : i32
      %dma_start3A_142 = tpu.memref_slice %arg11[%dma_start3A_140, %dma_start3A_141] : memref<16x513xf32, #tpu.memory_space<vmem>> -> memref<16x512xf32, #tpu.memory_space<vmem>>
      tpu.enqueue_dma source(%dma_start3A_142 : memref<16x512xf32, #tpu.memory_space<vmem>>) target(%dma_start3A_139 : memref<16x512xf32, #tpu.memory_space<hbm>>) target_semaphore(%arg17 : memref<!tpu.dma_semaphore, #tpu.memory_space<semaphore_mem>>)
      %mul3A_143 = arith.constant 2 : i32
      %mul3A_144 = arith.muli %mul3A_143, %scan3A_107 : i32
      %add3A_145 = arith.constant 1 : i32
      %add3A_146 = arith.addi %mul3A_144, %add3A_145 : i32
      %add3A_147 = arith.constant 1 : i32
      %add3A_148 = arith.addi %add3A_146, %add3A_147 : i32
      %lt3A_149 = arith.constant 256 : i32
      %lt3A_150 = arith.cmpi slt, %add3A_148, %lt3A_149 : i32
      %convert_element_type3A_151 = arith.extui %lt3A_150 : i1 to i32
      %cond3A_152 = arith.constant 0 : i32
      %cond3A_153 = arith.cmpi ne, %convert_element_type3A_151, %cond3A_152 : i32
      scf.if %cond3A_153 {
        %dma_wait3A_182 = arith.constant 0 : i32
        %dma_wait3A_183 = tpu.memref_slice %arg2[%dma_wait3A_182] : memref<4194304xf32, #tpu.memory_space<hbm>> -> memref<512xf32, #tpu.memory_space<hbm>>
        %dma_wait3A_184 = arith.constant 0 : i32
        %dma_wait3A_185 = tpu.memref_slice %arg2[%dma_wait3A_184] : memref<4194304xf32, #tpu.memory_space<hbm>> -> memref<512xf32, #tpu.memory_space<hbm>>
        tpu.wait_dma2 semaphore(%arg13 : memref<!tpu.dma_semaphore, #tpu.memory_space<semaphore_mem>>) src(%dma_wait3A_185 : memref<512xf32, #tpu.memory_space<hbm>>) dst(%arg5 : memref<512xf32, #tpu.memory_space<vmem>>)
        %scan3A_186 = arith.constant 0 : i32
        %scan3A_187 = arith.constant 4 : i32
        %scan3A_188 = arith.addi %scan3A_186, %scan3A_187 : i32
        %scan3A_189 = arith.constant 1 : i32
        scf.for %scan3A_238 = %scan3A_186 to %scan3A_188 step %scan3A_189  : i32 {
          %mul3A_239 = arith.constant 128 : i32
          %mul3A_240 = arith.muli %scan3A_238, %mul3A_239 : i32
          %add3A_241 = arith.constant 0 : i32
          %add3A_242 = arith.addi %mul3A_240, %add3A_241 : i32
          %get3A = arith.index_cast %add3A_242 : i32 to index
          %get3A_243 = tpu.vector_load %arg5[%get3A] {strides = array<i32>} : memref<512xf32, #tpu.memory_space<vmem>>, vector<16xf32>,
          %mul3A_244 = arith.constant 9.999900e+04 : f32
          %mul3A_245 = vector.broadcast %mul3A_244 : f32 to vector<16xf32>
          %mul3A_246 = arith.mulf %get3A_243, %mul3A_245 : vector<16xf32>
          %convert_element_type3A_247 = arith.fptosi %mul3A_246 : vector<16xf32> to vector<16xi32>
          %swap3A = arith.index_cast %scan3A_238 : i32 to index
          %swap3A_248 = arith.constant 0 : index
          %swap3A_249 = tpu.vector_load %arg7[%swap3A, %swap3A_248] {strides = array<i32>} : memref<4x128xi32, #tpu.memory_space<vmem>>, vector<16xi32>,
          tpu.vector_store %arg7[%swap3A, %swap3A_248], %convert_element_type3A_247 {strides = array<i32>} : memref<4x128xi32, #tpu.memory_space<vmem>>, vector<16xi32>,
          %mul3A_250 = arith.constant 128 : i32
          %mul3A_251 = arith.muli %scan3A_238, %mul3A_250 : i32
          %add3A_252 = arith.constant 16 : i32
          %add3A_253 = arith.addi %mul3A_251, %add3A_252 : i32
          %get3A_254 = arith.index_cast %add3A_253 : i32 to index
          %get3A_255 = tpu.vector_load %arg5[%get3A_254] {strides = array<i32>} : memref<512xf32, #tpu.memory_space<vmem>>, vector<16xf32>,
          %mul3A_256 = arith.constant 9.999900e+04 : f32
          %mul3A_257 = vector.broadcast %mul3A_256 : f32 to vector<16xf32>
          %mul3A_258 = arith.mulf %get3A_255, %mul3A_257 : vector<16xf32>
          %convert_element_type3A_259 = arith.fptosi %mul3A_258 : vector<16xf32> to vector<16xi32>
          %swap3A_260 = arith.index_cast %scan3A_238 : i32 to index
          %swap3A_261 = arith.constant 16 : index
          %swap3A_262 = tpu.vector_load %arg7[%swap3A_260, %swap3A_261] {strides = array<i32>} : memref<4x128xi32, #tpu.memory_space<vmem>>, vector<16xi32>,
          tpu.vector_store %arg7[%swap3A_260, %swap3A_261], %convert_element_type3A_259 {strides = array<i32>} : memref<4x128xi32, #tpu.memory_space<vmem>>, vector<16xi32>,
          %mul3A_263 = arith.constant 128 : i32
          %mul3A_264 = arith.muli %scan3A_238, %mul3A_263 : i32
          %add3A_265 = arith.constant 32 : i32
          %add3A_266 = arith.addi %mul3A_264, %add3A_265 : i32
          %get3A_267 = arith.index_cast %add3A_266 : i32 to index
          %get3A_268 = tpu.vector_load %arg5[%get3A_267] {strides = array<i32>} : memref<512xf32, #tpu.memory_space<vmem>>, vector<16xf32>,
          %mul3A_269 = arith.constant 9.999900e+04 : f32
          %mul3A_270 = vector.broadcast %mul3A_269 : f32 to vector<16xf32>
          %mul3A_271 = arith.mulf %get3A_268, %mul3A_270 : vector<16xf32>
          %convert_element_type3A_272 = arith.fptosi %mul3A_271 : vector<16xf32> to vector<16xi32>
          %swap3A_273 = arith.index_cast %scan3A_238 : i32 to index
          %swap3A_274 = arith.constant 32 : index
          %swap3A_275 = tpu.vector_load %arg7[%swap3A_273, %swap3A_274] {strides = array<i32>} : memref<4x128xi32, #tpu.memory_space<vmem>>, vector<16xi32>,
          tpu.vector_store %arg7[%swap3A_273, %swap3A_274], %convert_element_type3A_272 {strides = array<i32>} : memref<4x128xi32, #tpu.memory_space<vmem>>, vector<16xi32>,
          %mul3A_276 = arith.constant 128 : i32
          %mul3A_277 = arith.muli %scan3A_238, %mul3A_276 : i32
          %add3A_278 = arith.constant 48 : i32
          %add3A_279 = arith.addi %mul3A_277, %add3A_278 : i32
          %get3A_280 = arith.index_cast %add3A_279 : i32 to index
          %get3A_281 = tpu.vector_load %arg5[%get3A_280] {strides = array<i32>} : memref<512xf32, #tpu.memory_space<vmem>>, vector<16xf32>,
          %mul3A_282 = arith.constant 9.999900e+04 : f32
          %mul3A_283 = vector.broadcast %mul3A_282 : f32 to vector<16xf32>
          %mul3A_284 = arith.mulf %get3A_281, %mul3A_283 : vector<16xf32>
          %convert_element_type3A_285 = arith.fptosi %mul3A_284 : vector<16xf32> to vector<16xi32>
          %swap3A_286 = arith.index_cast %scan3A_238 : i32 to index
          %swap3A_287 = arith.constant 48 : index
          %swap3A_288 = tpu.vector_load %arg7[%swap3A_286, %swap3A_287] {strides = array<i32>} : memref<4x128xi32, #tpu.memory_space<vmem>>, vector<16xi32>,
          tpu.vector_store %arg7[%swap3A_286, %swap3A_287], %convert_element_type3A_285 {strides = array<i32>} : memref<4x128xi32, #tpu.memory_space<vmem>>, vector<16xi32>,
          %mul3A_289 = arith.constant 128 : i32
          %mul3A_290 = arith.muli %scan3A_238, %mul3A_289 : i32
          %add3A_291 = arith.constant 64 : i32
          %add3A_292 = arith.addi %mul3A_290, %add3A_291 : i32
          %get3A_293 = arith.index_cast %add3A_292 : i32 to index
          %get3A_294 = tpu.vector_load %arg5[%get3A_293] {strides = array<i32>} : memref<512xf32, #tpu.memory_space<vmem>>, vector<16xf32>,
          %mul3A_295 = arith.constant 9.999900e+04 : f32
          %mul3A_296 = vector.broadcast %mul3A_295 : f32 to vector<16xf32>
          %mul3A_297 = arith.mulf %get3A_294, %mul3A_296 : vector<16xf32>
          %convert_element_type3A_298 = arith.fptosi %mul3A_297 : vector<16xf32> to vector<16xi32>
          %swap3A_299 = arith.index_cast %scan3A_238 : i32 to index
          %swap3A_300 = arith.constant 64 : index
          %swap3A_301 = tpu.vector_load %arg7[%swap3A_299, %swap3A_300] {strides = array<i32>} : memref<4x128xi32, #tpu.memory_space<vmem>>, vector<16xi32>,
          tpu.vector_store %arg7[%swap3A_299, %swap3A_300], %convert_element_type3A_298 {strides = array<i32>} : memref<4x128xi32, #tpu.memory_space<vmem>>, vector<16xi32>,
          %mul3A_302 = arith.constant 128 : i32
          %mul3A_303 = arith.muli %scan3A_238, %mul3A_302 : i32
          %add3A_304 = arith.constant 80 : i32
          %add3A_305 = arith.addi %mul3A_303, %add3A_304 : i32
          %get3A_306 = arith.index_cast %add3A_305 : i32 to index
          %get3A_307 = tpu.vector_load %arg5[%get3A_306] {strides = array<i32>} : memref<512xf32, #tpu.memory_space<vmem>>, vector<16xf32>,
          %mul3A_308 = arith.constant 9.999900e+04 : f32
          %mul3A_309 = vector.broadcast %mul3A_308 : f32 to vector<16xf32>
          %mul3A_310 = arith.mulf %get3A_307, %mul3A_309 : vector<16xf32>
          %convert_element_type3A_311 = arith.fptosi %mul3A_310 : vector<16xf32> to vector<16xi32>
          %swap3A_312 = arith.index_cast %scan3A_238 : i32 to index
          %swap3A_313 = arith.constant 80 : index
          %swap3A_314 = tpu.vector_load %arg7[%swap3A_312, %swap3A_313] {strides = array<i32>} : memref<4x128xi32, #tpu.memory_space<vmem>>, vector<16xi32>,
          tpu.vector_store %arg7[%swap3A_312, %swap3A_313], %convert_element_type3A_311 {strides = array<i32>} : memref<4x128xi32, #tpu.memory_space<vmem>>, vector<16xi32>,
          %mul3A_315 = arith.constant 128 : i32
          %mul3A_316 = arith.muli %scan3A_238, %mul3A_315 : i32
          %add3A_317 = arith.constant 96 : i32
          %add3A_318 = arith.addi %mul3A_316, %add3A_317 : i32
          %get3A_319 = arith.index_cast %add3A_318 : i32 to index
          %get3A_320 = tpu.vector_load %arg5[%get3A_319] {strides = array<i32>} : memref<512xf32, #tpu.memory_space<vmem>>, vector<16xf32>,
          %mul3A_321 = arith.constant 9.999900e+04 : f32
          %mul3A_322 = vector.broadcast %mul3A_321 : f32 to vector<16xf32>
          %mul3A_323 = arith.mulf %get3A_320, %mul3A_322 : vector<16xf32>
          %convert_element_type3A_324 = arith.fptosi %mul3A_323 : vector<16xf32> to vector<16xi32>
          %swap3A_325 = arith.index_cast %scan3A_238 : i32 to index
          %swap3A_326 = arith.constant 96 : index
          %swap3A_327 = tpu.vector_load %arg7[%swap3A_325, %swap3A_326] {strides = array<i32>} : memref<4x128xi32, #tpu.memory_space<vmem>>, vector<16xi32>,
          tpu.vector_store %arg7[%swap3A_325, %swap3A_326], %convert_element_type3A_324 {strides = array<i32>} : memref<4x128xi32, #tpu.memory_space<vmem>>, vector<16xi32>,
          %mul3A_328 = arith.constant 128 : i32
          %mul3A_329 = arith.muli %scan3A_238, %mul3A_328 : i32
          %add3A_330 = arith.constant 112 : i32
          %add3A_331 = arith.addi %mul3A_329, %add3A_330 : i32
          %get3A_332 = arith.index_cast %add3A_331 : i32 to index
          %get3A_333 = tpu.vector_load %arg5[%get3A_332] {strides = array<i32>} : memref<512xf32, #tpu.memory_space<vmem>>, vector<16xf32>,
          %mul3A_334 = arith.constant 9.999900e+04 : f32
          %mul3A_335 = vector.broadcast %mul3A_334 : f32 to vector<16xf32>
          %mul3A_336 = arith.mulf %get3A_333, %mul3A_335 : vector<16xf32>
          %convert_element_type3A_337 = arith.fptosi %mul3A_336 : vector<16xf32> to vector<16xi32>
          %swap3A_338 = arith.index_cast %scan3A_238 : i32 to index
          %swap3A_339 = arith.constant 112 : index
          %swap3A_340 = tpu.vector_load %arg7[%swap3A_338, %swap3A_339] {strides = array<i32>} : memref<4x128xi32, #tpu.memory_space<vmem>>, vector<16xi32>,
          tpu.vector_store %arg7[%swap3A_338, %swap3A_339], %convert_element_type3A_337 {strides = array<i32>} : memref<4x128xi32, #tpu.memory_space<vmem>>, vector<16xi32>,
        }
        %scan3A_190 = arith.constant 4 : i32
        %dma_start3A_191 = arith.constant 0 : i32
        %dma_start3A_192 = arith.constant 0 : i32
        %dma_start3A_193 = arith.constant 0 : i32
        %dma_start3A_194 = tpu.memref_slice %arg9[%dma_start3A_192, %dma_start3A_193] : memref<512x16xf32, #tpu.memory_space<vmem>> -> memref<128x16xf32, #tpu.memory_space<vmem>>
        %dma_start3A_195 = arith.constant 0 : i32
        %dma_start3A_196 = tpu.memref_slice %arg7[%dma_start3A_191, %dma_start3A_195] : memref<4x128xi32, #tpu.memory_space<vmem>> -> memref<1x128xi32, #tpu.memory_space<vmem>>
        %dma_start3A_197 = tpu.memref_squeeze %dma_start3A_196 : memref<1x128xi32, #tpu.memory_space<vmem>> -> memref<128xi32, #tpu.memory_space<vmem>>
        %dma_start3A_198 = arith.constant 0 : i32
        %dma_start3A_199 = arith.constant 0 : i32
        %dma_start3A_200 = tpu.memref_slice %arg12[%dma_start3A_198, %dma_start3A_199] : memref<100000x16xf32, #tpu.memory_space<vmem_shared>> -> memref<100000x16xf32, #tpu.memory_space<vmem_shared>>
        tpu.enqueue_indirect_dma source(%dma_start3A_200 : memref<100000x16xf32, #tpu.memory_space<vmem_shared>>) target(%dma_start3A_194 : memref<128x16xf32, #tpu.memory_space<vmem>>) offsets(%dma_start3A_197 : memref<128xi32, #tpu.memory_space<vmem>>) semaphore(%arg15 : memref<!tpu.dma_semaphore, #tpu.memory_space<semaphore_mem>>)
        %dma_start3A_201 = arith.constant 1 : i32
        %dma_start3A_202 = arith.constant 128 : i32
        %dma_start3A_203 = arith.constant 0 : i32
        %dma_start3A_204 = tpu.memref_slice %arg9[%dma_start3A_202, %dma_start3A_203] : memref<512x16xf32, #tpu.memory_space<vmem>> -> memref<128x16xf32, #tpu.memory_space<vmem>>
        %dma_start3A_205 = arith.constant 0 : i32
        %dma_start3A_206 = tpu.memref_slice %arg7[%dma_start3A_201, %dma_start3A_205] : memref<4x128xi32, #tpu.memory_space<vmem>> -> memref<1x128xi32, #tpu.memory_space<vmem>>
        %dma_start3A_207 = tpu.memref_squeeze %dma_start3A_206 : memref<1x128xi32, #tpu.memory_space<vmem>> -> memref<128xi32, #tpu.memory_space<vmem>>
        %dma_start3A_208 = arith.constant 0 : i32
        %dma_start3A_209 = arith.constant 0 : i32
        %dma_start3A_210 = tpu.memref_slice %arg12[%dma_start3A_208, %dma_start3A_209] : memref<100000x16xf32, #tpu.memory_space<vmem_shared>> -> memref<100000x16xf32, #tpu.memory_space<vmem_shared>>
        tpu.enqueue_indirect_dma source(%dma_start3A_210 : memref<100000x16xf32, #tpu.memory_space<vmem_shared>>) target(%dma_start3A_204 : memref<128x16xf32, #tpu.memory_space<vmem>>) offsets(%dma_start3A_207 : memref<128xi32, #tpu.memory_space<vmem>>) semaphore(%arg15 : memref<!tpu.dma_semaphore, #tpu.memory_space<semaphore_mem>>)
        %dma_start3A_211 = arith.constant 2 : i32
        %dma_start3A_212 = arith.constant 256 : i32
        %dma_start3A_213 = arith.constant 0 : i32
        %dma_start3A_214 = tpu.memref_slice %arg9[%dma_start3A_212, %dma_start3A_213] : memref<512x16xf32, #tpu.memory_space<vmem>> -> memref<128x16xf32, #tpu.memory_space<vmem>>
        %dma_start3A_215 = arith.constant 0 : i32
        %dma_start3A_216 = tpu.memref_slice %arg7[%dma_start3A_211, %dma_start3A_215] : memref<4x128xi32, #tpu.memory_space<vmem>> -> memref<1x128xi32, #tpu.memory_space<vmem>>
        %dma_start3A_217 = tpu.memref_squeeze %dma_start3A_216 : memref<1x128xi32, #tpu.memory_space<vmem>> -> memref<128xi32, #tpu.memory_space<vmem>>
        %dma_start3A_218 = arith.constant 0 : i32
        %dma_start3A_219 = arith.constant 0 : i32
        %dma_start3A_220 = tpu.memref_slice %arg12[%dma_start3A_218, %dma_start3A_219] : memref<100000x16xf32, #tpu.memory_space<vmem_shared>> -> memref<100000x16xf32, #tpu.memory_space<vmem_shared>>
        tpu.enqueue_indirect_dma source(%dma_start3A_220 : memref<100000x16xf32, #tpu.memory_space<vmem_shared>>) target(%dma_start3A_214 : memref<128x16xf32, #tpu.memory_space<vmem>>) offsets(%dma_start3A_217 : memref<128xi32, #tpu.memory_space<vmem>>) semaphore(%arg15 : memref<!tpu.dma_semaphore, #tpu.memory_space<semaphore_mem>>)
        %dma_start3A_221 = arith.constant 3 : i32
        %dma_start3A_222 = arith.constant 384 : i32
        %dma_start3A_223 = arith.constant 0 : i32
        %dma_start3A_224 = tpu.memref_slice %arg9[%dma_start3A_222, %dma_start3A_223] : memref<512x16xf32, #tpu.memory_space<vmem>> -> memref<128x16xf32, #tpu.memory_space<vmem>>
        %dma_start3A_225 = arith.constant 0 : i32
        %dma_start3A_226 = tpu.memref_slice %arg7[%dma_start3A_221, %dma_start3A_225] : memref<4x128xi32, #tpu.memory_space<vmem>> -> memref<1x128xi32, #tpu.memory_space<vmem>>
        %dma_start3A_227 = tpu.memref_squeeze %dma_start3A_226 : memref<1x128xi32, #tpu.memory_space<vmem>> -> memref<128xi32, #tpu.memory_space<vmem>>
        %dma_start3A_228 = arith.constant 0 : i32
        %dma_start3A_229 = arith.constant 0 : i32
        %dma_start3A_230 = tpu.memref_slice %arg12[%dma_start3A_228, %dma_start3A_229] : memref<100000x16xf32, #tpu.memory_space<vmem_shared>> -> memref<100000x16xf32, #tpu.memory_space<vmem_shared>>
        tpu.enqueue_indirect_dma source(%dma_start3A_230 : memref<100000x16xf32, #tpu.memory_space<vmem_shared>>) target(%dma_start3A_224 : memref<128x16xf32, #tpu.memory_space<vmem>>) offsets(%dma_start3A_227 : memref<128xi32, #tpu.memory_space<vmem>>) semaphore(%arg15 : memref<!tpu.dma_semaphore, #tpu.memory_space<semaphore_mem>>)
        %add3A_231 = arith.constant 2 : i32
        %add3A_232 = arith.addi %add3A_146, %add3A_231 : i32
        %lt3A_233 = arith.constant 256 : i32
        %lt3A_234 = arith.cmpi slt, %add3A_232, %lt3A_233 : i32
        %convert_element_type3A_235 = arith.extui %lt3A_234 : i1 to i32
        %cond3A_236 = arith.constant 0 : i32
        %cond3A_237 = arith.cmpi ne, %convert_element_type3A_235, %cond3A_236 : i32
        scf.if %cond3A_237 {
          %add3A_238 = arith.constant 2 : i32
          %add3A_239 = arith.addi %add3A_146, %add3A_238 : i32
          %mul3A_240 = arith.constant 512 : i32
          %mul3A_241 = arith.muli %add3A_239, %mul3A_240 : i32
          %add3A_242 = arith.addi %mul3A_2, %mul3A_241 : i32
          %dma_start3A_243 = tpu.memref_slice %arg2[%add3A_242] : memref<4194304xf32, #tpu.memory_space<hbm>> -> memref<512xf32, #tpu.memory_space<hbm>>
          %dma_start3A_244 = tpu.memref_slice %arg2[%add3A_242] : memref<4194304xf32, #tpu.memory_space<hbm>> -> memref<512xf32, #tpu.memory_space<hbm>>
          tpu.enqueue_dma source(%dma_start3A_244 : memref<512xf32, #tpu.memory_space<hbm>>) target(%arg6 : memref<512xf32, #tpu.memory_space<vmem>>) target_semaphore(%arg14 : memref<!tpu.dma_semaphore, #tpu.memory_space<semaphore_mem>>)
        } else {
        }
      } else {
      }
      %dma_wait3A_154 = arith.constant 0 : i32
      %dma_wait3A_155 = arith.constant 0 : i32
      %dma_wait3A_156 = tpu.memref_slice %arg3[%dma_wait3A_154, %dma_wait3A_155] : memref<100000x16xf32, #tpu.memory_space<hbm>> -> memref<512x16xf32, #tpu.memory_space<hbm>>
      %dma_wait3A_157 = arith.constant 0 : i32
      %dma_wait3A_158 = arith.constant 0 : i32
      %dma_wait3A_159 = tpu.memref_slice %arg3[%dma_wait3A_157, %dma_wait3A_158] : memref<100000x16xf32, #tpu.memory_space<hbm>> -> memref<512x16xf32, #tpu.memory_space<hbm>>
      tpu.wait_dma2 semaphore(%arg16 : memref<!tpu.dma_semaphore, #tpu.memory_space<semaphore_mem>>) src(%dma_wait3A_159 : memref<512x16xf32, #tpu.memory_space<hbm>>) dst(%arg10 : memref<512x16xf32, #tpu.memory_space<vmem>>)
      %ge3A_160 = arith.constant 1 : i32
      %ge3A_161 = arith.cmpi sge, %add3A_146, %ge3A_160 : i32
      %convert_element_type3A_162 = arith.extui %ge3A_161 : i1 to i32
      %cond3A_163 = arith.constant 0 : i32
      %cond3A_164 = arith.cmpi ne, %convert_element_type3A_162, %cond3A_163 : i32
      scf.if %cond3A_164 {
        %dma_wait3A_182 = arith.constant 0 : i32
        %dma_wait3A_183 = arith.constant 0 : i32
        %dma_wait3A_184 = tpu.memref_slice %arg11[%dma_wait3A_182, %dma_wait3A_183] : memref<16x513xf32, #tpu.memory_space<vmem>> -> memref<16x512xf32, #tpu.memory_space<vmem>>
        %dma_wait3A_185 = tpu.memref_slice %arg4[%mul3A_36, %mul3A_34] : memref<256x262144xf32, #tpu.memory_space<hbm>> -> memref<16x512xf32, #tpu.memory_space<hbm>>
        %dma_wait3A_186 = tpu.memref_slice %arg4[%mul3A_36, %mul3A_34] : memref<256x262144xf32, #tpu.memory_space<hbm>> -> memref<16x512xf32, #tpu.memory_space<hbm>>
        %dma_wait3A_187 = arith.constant 0 : i32
        %dma_wait3A_188 = arith.constant 0 : i32
        %dma_wait3A_189 = tpu.memref_slice %arg11[%dma_wait3A_187, %dma_wait3A_188] : memref<16x513xf32, #tpu.memory_space<vmem>> -> memref<16x512xf32, #tpu.memory_space<vmem>>
        tpu.wait_dma2 semaphore(%arg17 : memref<!tpu.dma_semaphore, #tpu.memory_space<semaphore_mem>>) src(%dma_wait3A_189 : memref<16x512xf32, #tpu.memory_space<vmem>>) dst(%dma_wait3A_186 : memref<16x512xf32, #tpu.memory_space<hbm>>)
      } else {
      }
      %iota3A_165 = tpu.iota {dimensions = array<i32: 0>} : vector<16xi32>
      %scan3A_166 = arith.constant 0 : i32
      %scan3A_167 = arith.constant 64 : i32
      %scan3A_168 = arith.addi %scan3A_166, %scan3A_167 : i32
      %scan3A_169 = arith.constant 1 : i32
      scf.for %scan3A_182 = %scan3A_166 to %scan3A_168 step %scan3A_169  : i32 {
        %mul3A_183 = arith.constant 8 : i32
        %mul3A_184 = arith.muli %scan3A_182, %mul3A_183 : i32
        %add3A_185 = arith.constant 0 : i32
        %add3A_186 = arith.addi %mul3A_184, %add3A_185 : i32
        %get3A = arith.index_cast %add3A_186 : i32 to index
        %get3A_187 = arith.constant 0 : index
        %get3A_188 = tpu.vector_load %arg10[%get3A, %get3A_187] {strides = array<i32>} : memref<512x16xf32, #tpu.memory_space<vmem>>, vector<16xf32>,
        %broadcast_in_dim3A = arith.constant 0 : i32
        %broadcast_in_dim3A_189 = vector.broadcast %broadcast_in_dim3A : i32 to vector<16xi32>
        %add3A_190 = arith.constant 0 : i32
        %add3A_191 = arith.addi %mul3A_184, %add3A_190 : i32
        %add3A_192 = vector.broadcast %add3A_191 : i32 to vector<16xi32>
        %add3A_193 = arith.addi %broadcast_in_dim3A_189, %add3A_192 : vector<16xi32>
        tpu.vector_store_idx %arg11[%iota3A_165, %add3A_193], %get3A_188 : memref<16x513xf32, #tpu.memory_space<vmem>>[vector<16xi32>, vector<16xi32>], vector<16xf32>,
        %add3A_194 = arith.constant 1 : i32
        %add3A_195 = arith.addi %mul3A_184, %add3A_194 : i32
        %get3A_196 = arith.index_cast %add3A_195 : i32 to index
        %get3A_197 = arith.constant 0 : index
        %get3A_198 = tpu.vector_load %arg10[%get3A_196, %get3A_197] {strides = array<i32>} : memref<512x16xf32, #tpu.memory_space<vmem>>, vector<16xf32>,
        %broadcast_in_dim3A_199 = arith.constant 0 : i32
        %broadcast_in_dim3A_200 = vector.broadcast %broadcast_in_dim3A_199 : i32 to vector<16xi32>
        %add3A_201 = arith.constant 1 : i32
        %add3A_202 = arith.addi %mul3A_184, %add3A_201 : i32
        %add3A_203 = vector.broadcast %add3A_202 : i32 to vector<16xi32>
        %add3A_204 = arith.addi %broadcast_in_dim3A_200, %add3A_203 : vector<16xi32>
        tpu.vector_store_idx %arg11[%iota3A_165, %add3A_204], %get3A_198 : memref<16x513xf32, #tpu.memory_space<vmem>>[vector<16xi32>, vector<16xi32>], vector<16xf32>,
        %add3A_205 = arith.constant 2 : i32
        %add3A_206 = arith.addi %mul3A_184, %add3A_205 : i32
        %get3A_207 = arith.index_cast %add3A_206 : i32 to index
        %get3A_208 = arith.constant 0 : index
        %get3A_209 = tpu.vector_load %arg10[%get3A_207, %get3A_208] {strides = array<i32>} : memref<512x16xf32, #tpu.memory_space<vmem>>, vector<16xf32>,
        %broadcast_in_dim3A_210 = arith.constant 0 : i32
        %broadcast_in_dim3A_211 = vector.broadcast %broadcast_in_dim3A_210 : i32 to vector<16xi32>
        %add3A_212 = arith.constant 2 : i32
        %add3A_213 = arith.addi %mul3A_184, %add3A_212 : i32
        %add3A_214 = vector.broadcast %add3A_213 : i32 to vector<16xi32>
        %add3A_215 = arith.addi %broadcast_in_dim3A_211, %add3A_214 : vector<16xi32>
        tpu.vector_store_idx %arg11[%iota3A_165, %add3A_215], %get3A_209 : memref<16x513xf32, #tpu.memory_space<vmem>>[vector<16xi32>, vector<16xi32>], vector<16xf32>,
        %add3A_216 = arith.constant 3 : i32
        %add3A_217 = arith.addi %mul3A_184, %add3A_216 : i32
        %get3A_218 = arith.index_cast %add3A_217 : i32 to index
        %get3A_219 = arith.constant 0 : index
        %get3A_220 = tpu.vector_load %arg10[%get3A_218, %get3A_219] {strides = array<i32>} : memref<512x16xf32, #tpu.memory_space<vmem>>, vector<16xf32>,
        %broadcast_in_dim3A_221 = arith.constant 0 : i32
        %broadcast_in_dim3A_222 = vector.broadcast %broadcast_in_dim3A_221 : i32 to vector<16xi32>
        %add3A_223 = arith.constant 3 : i32
        %add3A_224 = arith.addi %mul3A_184, %add3A_223 : i32
        %add3A_225 = vector.broadcast %add3A_224 : i32 to vector<16xi32>
        %add3A_226 = arith.addi %broadcast_in_dim3A_222, %add3A_225 : vector<16xi32>
        tpu.vector_store_idx %arg11[%iota3A_165, %add3A_226], %get3A_220 : memref<16x513xf32, #tpu.memory_space<vmem>>[vector<16xi32>, vector<16xi32>], vector<16xf32>,
        %add3A_227 = arith.constant 4 : i32
        %add3A_228 = arith.addi %mul3A_184, %add3A_227 : i32
        %get3A_229 = arith.index_cast %add3A_228 : i32 to index
        %get3A_230 = arith.constant 0 : index
        %get3A_231 = tpu.vector_load %arg10[%get3A_229, %get3A_230] {strides = array<i32>} : memref<512x16xf32, #tpu.memory_space<vmem>>, vector<16xf32>,
        %broadcast_in_dim3A_232 = arith.constant 0 : i32
        %broadcast_in_dim3A_233 = vector.broadcast %broadcast_in_dim3A_232 : i32 to vector<16xi32>
        %add3A_234 = arith.constant 4 : i32
        %add3A_235 = arith.addi %mul3A_184, %add3A_234 : i32
        %add3A_236 = vector.broadcast %add3A_235 : i32 to vector<16xi32>
        %add3A_237 = arith.addi %broadcast_in_dim3A_233, %add3A_236 : vector<16xi32>
        tpu.vector_store_idx %arg11[%iota3A_165, %add3A_237], %get3A_231 : memref<16x513xf32, #tpu.memory_space<vmem>>[vector<16xi32>, vector<16xi32>], vector<16xf32>,
        %add3A_238 = arith.constant 5 : i32
        %add3A_239 = arith.addi %mul3A_184, %add3A_238 : i32
        %get3A_240 = arith.index_cast %add3A_239 : i32 to index
        %get3A_241 = arith.constant 0 : index
        %get3A_242 = tpu.vector_load %arg10[%get3A_240, %get3A_241] {strides = array<i32>} : memref<512x16xf32, #tpu.memory_space<vmem>>, vector<16xf32>,
        %broadcast_in_dim3A_243 = arith.constant 0 : i32
        %broadcast_in_dim3A_244 = vector.broadcast %broadcast_in_dim3A_243 : i32 to vector<16xi32>
        %add3A_245 = arith.constant 5 : i32
        %add3A_246 = arith.addi %mul3A_184, %add3A_245 : i32
        %add3A_247 = vector.broadcast %add3A_246 : i32 to vector<16xi32>
        %add3A_248 = arith.addi %broadcast_in_dim3A_244, %add3A_247 : vector<16xi32>
        tpu.vector_store_idx %arg11[%iota3A_165, %add3A_248], %get3A_242 : memref<16x513xf32, #tpu.memory_space<vmem>>[vector<16xi32>, vector<16xi32>], vector<16xf32>,
        %add3A_249 = arith.constant 6 : i32
        %add3A_250 = arith.addi %mul3A_184, %add3A_249 : i32
        %get3A_251 = arith.index_cast %add3A_250 : i32 to index
        %get3A_252 = arith.constant 0 : index
        %get3A_253 = tpu.vector_load %arg10[%get3A_251, %get3A_252] {strides = array<i32>} : memref<512x16xf32, #tpu.memory_space<vmem>>, vector<16xf32>,
        %broadcast_in_dim3A_254 = arith.constant 0 : i32
        %broadcast_in_dim3A_255 = vector.broadcast %broadcast_in_dim3A_254 : i32 to vector<16xi32>
        %add3A_256 = arith.constant 6 : i32
        %add3A_257 = arith.addi %mul3A_184, %add3A_256 : i32
        %add3A_258 = vector.broadcast %add3A_257 : i32 to vector<16xi32>
        %add3A_259 = arith.addi %broadcast_in_dim3A_255, %add3A_258 : vector<16xi32>
        tpu.vector_store_idx %arg11[%iota3A_165, %add3A_259], %get3A_253 : memref<16x513xf32, #tpu.memory_space<vmem>>[vector<16xi32>, vector<16xi32>], vector<16xf32>,
        %add3A_260 = arith.constant 7 : i32
        %add3A_261 = arith.addi %mul3A_184, %add3A_260 : i32
        %get3A_262 = arith.index_cast %add3A_261 : i32 to index
        %get3A_263 = arith.constant 0 : index
        %get3A_264 = tpu.vector_load %arg10[%get3A_262, %get3A_263] {strides = array<i32>} : memref<512x16xf32, #tpu.memory_space<vmem>>, vector<16xf32>,
        %broadcast_in_dim3A_265 = arith.constant 0 : i32
        %broadcast_in_dim3A_266 = vector.broadcast %broadcast_in_dim3A_265 : i32 to vector<16xi32>
        %add3A_267 = arith.constant 7 : i32
        %add3A_268 = arith.addi %mul3A_184, %add3A_267 : i32
        %add3A_269 = vector.broadcast %add3A_268 : i32 to vector<16xi32>
        %add3A_270 = arith.addi %broadcast_in_dim3A_266, %add3A_269 : vector<16xi32>
        tpu.vector_store_idx %arg11[%iota3A_165, %add3A_270], %get3A_264 : memref<16x513xf32, #tpu.memory_space<vmem>>[vector<16xi32>, vector<16xi32>], vector<16xf32>,
      }
      %scan3A_170 = arith.constant 64 : i32
      %mul3A_171 = arith.constant 512 : i32
      %mul3A_172 = arith.muli %add3A_146, %mul3A_171 : i32
      %add3A_173 = arith.addi %mul3A_34, %mul3A_172 : i32
      %dma_start3A_174 = arith.constant 0 : i32
      %dma_start3A_175 = arith.constant 0 : i32
      %dma_start3A_176 = tpu.memref_slice %arg11[%dma_start3A_174, %dma_start3A_175] : memref<16x513xf32, #tpu.memory_space<vmem>> -> memref<16x512xf32, #tpu.memory_space<vmem>>
      %dma_start3A_177 = tpu.memref_slice %arg4[%mul3A_36, %add3A_173] : memref<256x262144xf32, #tpu.memory_space<hbm>> -> memref<16x512xf32, #tpu.memory_space<hbm>>
      %dma_start3A_178 = tpu.memref_slice %arg4[%mul3A_36, %add3A_173] : memref<256x262144xf32, #tpu.memory_space<hbm>> -> memref<16x512xf32, #tpu.memory_space<hbm>>
      %dma_start3A_179 = arith.constant 0 : i32
      %dma_start3A_180 = arith.constant 0 : i32
      %dma_start3A_181 = tpu.memref_slice %arg11[%dma_start3A_179, %dma_start3A_180] : memref<16x513xf32, #tpu.memory_space<vmem>> -> memref<16x512xf32, #tpu.memory_space<vmem>>
      tpu.enqueue_dma source(%dma_start3A_181 : memref<16x512xf32, #tpu.memory_space<vmem>>) target(%dma_start3A_178 : memref<16x512xf32, #tpu.memory_space<hbm>>) target_semaphore(%arg17 : memref<!tpu.dma_semaphore, #tpu.memory_space<semaphore_mem>>)
    }
    %scan3A_98 = arith.constant 128 : i32
    %dma_wait3A_99 = arith.constant 0 : i32
    %dma_wait3A_100 = arith.constant 0 : i32
    %dma_wait3A_101 = tpu.memref_slice %arg11[%dma_wait3A_99, %dma_wait3A_100] : memref<16x513xf32, #tpu.memory_space<vmem>> -> memref<16x512xf32, #tpu.memory_space<vmem>>
    %dma_wait3A_102 = tpu.memref_slice %arg4[%mul3A_36, %mul3A_34] : memref<256x262144xf32, #tpu.memory_space<hbm>> -> memref<16x512xf32, #tpu.memory_space<hbm>>
    %dma_wait3A_103 = tpu.memref_slice %arg4[%mul3A_36, %mul3A_34] : memref<256x262144xf32, #tpu.memory_space<hbm>> -> memref<16x512xf32, #tpu.memory_space<hbm>>
    %dma_wait3A_104 = arith.constant 0 : i32
    %dma_wait3A_105 = arith.constant 0 : i32
    %dma_wait3A_106 = tpu.memref_slice %arg11[%dma_wait3A_104, %dma_wait3A_105] : memref<16x513xf32, #tpu.memory_space<vmem>> -> memref<16x512xf32, #tpu.memory_space<vmem>>
    tpu.wait_dma2 semaphore(%arg17 : memref<!tpu.dma_semaphore, #tpu.memory_space<semaphore_mem>>) src(%dma_wait3A_106 : memref<16x512xf32, #tpu.memory_space<vmem>>) dst(%dma_wait3A_103 : memref<16x512xf32, #tpu.memory_space<hbm>>)
    return
  }
}

</mosaic_0001>

<sc_bundles>
// kernel: kernel.3.cloned.1.call-start
scs
__scs_entry_jumppad:
0x0: {  	(pc) =	sbr.rel $0x88, $3  }
0x1: {  	(tag) =	ssettag $0x0;
	lr =	simm.s32 $0x1  }
0x2: {  	[smem:$0x3F9F] =	sst lr;
	_ =	strace $0xD0000000  }
0x3: {  	_ = 	snop  }
0x4: {  	_ = 	snop  }
0x5: {  	_ = 	snop  }
0x6: {  	_ = 	snop  }
0x7: {  	_ = 	snop  }
__scs_overlays_trampoline_lowered:
0x8: {  	[smem:$0x3FAE] =	sst s0  }
0x9: {  	[smem:$0x3FAF] =	sst s1  }
0xa: {  	[smem:$0x3FB0] =	sst s2  }
0xb: {  	[smem:$0x3FB1] =	sst s3  }
0xc: {  	[smem:$0x3FB2] =	sst s4  }
0xd: {  	[smem:$0x3FB3] =	sst s5  }
0xe: {  	[smem:$0x3FB4] =	sst s6  }
0xf: {  	[smem:$0x3FB5] =	sst s7  }
0x10: {  	[smem:$0x3FB6] =	sst s8  }
0x11: {  	[smem:$0x3FB7] =	sst s9;
	s0 =	simm.s32 @!p0 $0x0  }
0x12: {  	s1 =	sld [smem:$0x3F9D];
	s0 =	simm.s32 @p0 $0x1  }
0x13: {  	[smem:$0x3FB8] =	sst s0;
	s0 =	simm.s32 @!p1 $0x0  }
0x14: {  	s2 =	sld [smem:$0x3F9C];
	s0 =	simm.s32 @p1 $0x1  }
0x15: {  	[smem:$0x3FB9] =	sst s0;
	s0 =	simm.s32 @!p2 $0x0  }
0x16: {  	s3 =	sld [smem:$0x3FDB];
	s0 =	simm.s32 @p2 $0x1  }
0x17: {  	s4 =	simm.s32 $0x1BF5;
	[smem:$0x3FBB] =	sst s0  }
0x18: {  	s0 =	sld [smem:$0x3F9E];
	_ =	swait.ge [sflag:s4], $0x0  }
0x19: {  	s7 =	sld [smem:$0x3F9F]  }
0x1a: {  	s8 =	sadd.s32 $0xFFFFE003, lr  }
0x1b: {  	s9 =	sadd.s32 $0xFFFFFEF7, lr;
	s5 =	simm.s32 $0xFFFFFFFF;
	p2 =	slt.u32 s8, $0xFFFFF086  }
0x1c: {  	p1 =	slt.u32 s9, $0xF7A;
	s5 =	simm.s32 @!p2 $0x0  }
0x1d: {  	s5 =	simm.s32 @p1 $0x1;
	p0 =	seq.s32 s7, s2  }
0x1e: {  	s7 =	smul.u32 @!p0 $0xF7A, s2;
	p2 =	seq.s32 @!p0 s5, $0x0  }
0x1f: {  	s9 =	smul.u32 $0xF7A, s1;
	s8 =	simm.s32 @!p0 $0x1BF5;
	p2 =	por !p2, p0  }
0x20: {  	[sflag:s8] =	ssyncset.s32 @!p0 $0xFFFFF086;
	s6 =	sadd.s32 @!p0 s3, s7;
	s7 =	simm.s32 @!p0 $0x108  }
0x21: {  	s3 =	sadd.s32 s3, s9;
	s6 =	sadd.s32 @!p0 $0x88, s6;
	s7 =	simm.s32 @p2 $0x1082  }
0x22: {  	[simem:s7], [sflag:s8] =	dma.local @!p0 [hbm:s6], $0xF7A  }
0x23: {  	s9 =	sor.u32 $0xD0000000, s2;
	s6 =	simm.s32 $0x108;
	_ =	swait.ge @!p0 [sflag:s8], $0x0  }
0x24: {  	s3 =	sadd.s32 $0x88, s3;
	s6 =	simm.s32 @!p1 $0x1082;
	[sflag:s4] =	ssyncset.s32 $0xFFFFF086  }
0x25: {  	[simem:s6], [sflag:s4] =	dma.local [hbm:s3], $0xF7A  }
0x26: {  	[smem:$0x3F9F] =	sst s1;
	(tag) =	ssettag s2;
	_ =	strace s9  }
0x27: {  	s1 =	sld [smem:$0x3FAF]  }
0x28: {  	s2 =	sld [smem:$0x3FB0]  }
0x29: {  	s4 =	sld [smem:$0x3FB2]  }
0x2a: {  	p0 =	seq.s32 s5, $0x0;
	s5 =	sld [smem:$0x3FB3]  }
0x2b: {  	s6 =	sld [smem:$0x3FB4]  }
0x2c: {  	s7 =	sld [smem:$0x3FB5]  }
0x2d: {  	s3 =	simm.s32 $0x108;
	s8 =	sld [smem:$0x3FB6]  }
0x2e: {  	s3 =	simm.s32 @!p0 $0x1082;
	s9 =	sld [smem:$0x3FB7]  }
0x2f: {  	lr =	sadd.s32 s0, s3;
	s0 =	sld [smem:$0x3FAE]  }
0x30: {  	s3 =	sld [smem:$0x3FB1]  }
0x31: {  	[smem:$0x3FBA] =	sst s10  }
0x32: {  	s10 =	sld [smem:$0x3FB8];
	_ =	sdelay $0x3  }
0x33: {  	p0 =	seq.s32 s10, $0x1;
	s10 =	sld [smem:$0x3FBA];
	_ =	sdelay $0x3  }
0x34: {  	[smem:$0x3FBA] =	sst s10  }
0x35: {  	s10 =	sld [smem:$0x3FB9];
	_ =	sdelay $0x3  }
0x36: {  	p1 =	seq.s32 s10, $0x1;
	s10 =	sld [smem:$0x3FBA];
	_ =	sdelay $0x3  }
0x37: {  	[smem:$0x3FBA] =	sst s10  }
0x38: {  	s10 =	sld [smem:$0x3FBB]  }
0x39: {  	_ = 	snop;
	(pc) =	sbr.ind lr, $3  }
0x3a: {  	_ = 	snop  }
0x3b: {  	_ = 	snop  }
0x3c: {  	p2 =	seq.s32 s10, $0x1;
	s10 =	sld [smem:$0x3FBA]  }
0x3d: {  	_ =	shalt  }
0x3e: {  	_ =	shalt  }
0x3f: {  	_ =	shalt  }
0x40: {  	_ =	shalt  }
0x41: {  	_ =	shalt  }
0x42: {  	_ =	shalt  }
0x43: {  	_ =	shalt  }
0x44: {  	_ =	shalt  }
0x45: {  	_ =	shalt  }
0x46: {  	_ =	shalt  }
0x47: {  	_ =	shalt  }
0x48: {  	_ =	shalt  }
0x49: {  	_ =	shalt  }
0x4a: {  	_ =	shalt  }
0x4b: {  	_ =	shalt  }
0x4c: {  	_ =	shalt  }
0x4d: {  	_ =	shalt  }
0x4e: {  	_ =	shalt  }
0x4f: {  	_ =	shalt  }
0x50: {  	_ =	shalt  }
0x51: {  	_ =	shalt  }
0x52: {  	_ =	shalt  }
0x53: {  	_ =	shalt  }
0x54: {  	_ =	shalt  }
0x55: {  	_ =	shalt  }
0x56: {  	_ =	shalt  }
0x57: {  	_ =	shalt  }
0x58: {  	_ =	shalt  }
0x59: {  	_ =	shalt  }
0x5a: {  	_ =	shalt  }
0x5b: {  	_ =	shalt  }
0x5c: {  	_ =	shalt  }
0x5d: {  	_ =	shalt  }
0x5e: {  	_ =	shalt  }
0x5f: {  	_ =	shalt  }
0x60: {  	_ =	shalt  }
0x61: {  	_ =	shalt  }
0x62: {  	_ =	shalt  }
0x63: {  	_ =	shalt  }
0x64: {  	_ =	shalt  }
0x65: {  	_ =	shalt  }
0x66: {  	_ =	shalt  }
0x67: {  	_ =	shalt  }
0x68: {  	_ =	shalt  }
0x69: {  	_ =	shalt  }
0x6a: {  	_ =	shalt  }
0x6b: {  	_ =	shalt  }
0x6c: {  	_ =	shalt  }
0x6d: {  	_ =	shalt  }
0x6e: {  	_ =	shalt  }
0x6f: {  	_ =	shalt  }
0x70: {  	_ =	shalt  }
0x71: {  	_ =	shalt  }
0x72: {  	_ =	shalt  }
0x73: {  	_ =	shalt  }
0x74: {  	_ =	shalt  }
0x75: {  	_ =	shalt  }
0x76: {  	_ =	shalt  }
0x77: {  	_ =	shalt  }
0x78: {  	_ =	shalt  }
0x79: {  	_ =	shalt  }
0x7a: {  	_ =	shalt  }
0x7b: {  	_ =	shalt  }
0x7c: {  	_ =	shalt  }
0x7d: {  	_ =	shalt  }
0x7e: {  	_ =	shalt  }
0x7f: {  	_ =	shalt  }
0x80: {  	_ =	shalt  }
0x81: {  	_ =	shalt  }
0x82: {  	_ =	shalt  }
0x83: {  	_ =	shalt  }
0x84: {  	_ =	shalt  }
0x85: {  	_ =	shalt  }
0x86: {  	_ =	shalt  }
0x87: {  	_ =	shalt  }
.Lfunc_end0:
.L_simem_size_0:
called_computation_lowered:
.L_overlay_start_0:
0x88: {  	s2 =	sld [smem:$0x3FD9]  }
0x89: {  	s3 =	sld [smem:$0x3FFE];
	_ =	sdelay $0x1  }
0x8a: {  	s1 =	srdreg.scid  }
0x8b: {  	s0 =	sand.u32 $0x1, s1  }
0x8c: {  	s16 =	sshll.u32 s0, $0xA;
	s2 =	sadd.s32 s3, s2  }
0x8d: {  	s2 =	sadd.s32 s2, s16  }
0x8e: {  	[smem:$0x3FC6] =	sst s2  }
0x8f: {  	_ = 	snop  }
0x90: {  	(tm) =	ssettm $0x1  }
0x91: {  	s17 =	sld [smem:$0x3FFB];
	_ =	sdelay $0x3  }
0x92: {  	_ =	strace s17  }
0x93: {  	s2 =	sld [smem:$0x3FFC];
	_ =	sdelay $0x3  }
0x94: {  	_ =	strace s2  }
0x95: {  	s2 =	sld [smem:$0x3FFD];
	_ =	sdelay $0x3  }
0x96: {  	_ =	strace s2  }
0x97: {  	_ =	strace $0x8FFFFFFF  }
0x98: {  	s18 =	sld [smem:$0x3FDB];
	_ =	sdelay $0x1  }
0x99: {  	s19 =	simm.s32 $_scs_section_size  }
0x9a: {  	s4 =	simm.s32 $_size__tile_overlayer_lowered;
	s5 =	simm.s32 $_tile_overlayer_lowered  }
0x9b: {  	s22 =	simm.s32 $0x1BFF;
	s21 =	sshll.u32 s5, $0x1;
	s2 =	sadd.s32 s19, s18  }
0x9c: {  	s6 =	simm.s32 $0x0;
	s20 =	sshll.u32 s4, $0x1;
	s4 =	sadd.s32 s21, s2  }
0x9d: {  	[timem:s6], [sflag:s22] =	dma.local [hbm:s4], s20  }
0x9e: {  	_ =	swait.ge [sflag:s22], s20  }
0x9f: {  	s3 =	ssub.s32 $0x0, s20;
	[sflag:s22] =	ssyncset.done $0x0  }
0xa0: {  	[sflag:s22] =	ssyncadd.s32 s3;
	_ =	sdelay $0x1  }
0xa1: {  	s23 =	simm.s32 $0x1B8B  }
0xa2: {  	_ =	swait.ge [sflag:s23], $0x1  }
0xa3: {  	[sflag:s23] =	ssyncset.done $0x0  }
0xa4: {  	s25 =	simm.s32 $0x1B8E;
	s24 =	sld [smem:$0x3FFE];
	[sflag:s23] =	ssyncadd.s32 $0xFFFFFFFF  }
0xa5: {  	s26 =	simm.s32 $execute0_lowered;
	[smem:$0x3FD2] =	sst s25  }
0xa6: {  	s4 =	sshll.u32 s26, $0x1;
	_ =	strace $0x80000046;
	[dreg:$0x1] =	wrdreg $0xFFFFFFFF  }
0xa7: {  	s28 =	simm.s32 $_size_execute0_lowered;
	s2 =	sadd.s32 s2, s4;
	[dreg:$0x0] =	wrdreg $0x0  }
0xa8: {  	s4 =	sshll.u32 s28, $0x1;
	[dreg:$0x2] =	wrdreg s2  }
0xa9: {  	[dreg:$0x3] =	wrdreg s4  }
0xaa: {  	[dreg:$0x4] =	wrdreg $0xC0  }
0xab: {  	_ =	task [dreg:s6], $0x5FFFF  }
0xac: {  	[dreg:$0x1] =	wrdreg $0xFFFFFFFF  }
0xad: {  	[dreg:$0x0] =	wrdreg $0x60  }
0xae: {  	[dreg:$0x2] =	wrdreg s24  }
0xaf: {  	[dreg:$0x3] =	wrdreg $0x68800  }
0xb0: {  	[dreg:$0x4] =	wrdreg $0x9  }
0xb1: {  	_ =	task.clear_ibuf [dreg:s6], $0x5FFFF;
	_ =	strace $0x90000046  }
0xb2: {  	s29 =	simm.s32 $0x9;
	_ =	strace $0x80000048  }
0xb3: {  	_ =	swait.ge [sflag:s29], $0x1  }
0xb4: {  	[sflag:s29] =	ssyncadd.s32 $0xFFFFFFFF  }
0xb5: {  	_ =	strace $0x90000048  }
0xb6: {  	_ =	sfence  }
0xb7: {  	s30 =	sld [smem:$0x0];
	_ =	sdelay $0x2  }
0xb8: {  	s31 =	sshll.u32 s1, $0xD;
	s1 =	sshrl.u32 s1, $0x2  }
0xb9: {  	s3 =	sand.u32 $0x4000, s31;
	s1 =	sadd.s32 s1, s30  }
0xba: {  	s0 =	sor.u32 s3, s0;
	s1 =	sshll.u32 s1, $0x11  }
0xbb: {  	s0 =	sor.u32 s1, s0  }
0xbc: {  	s0 =	sadd.s32 $0x8F2B, s0  }
0xbd: {  	[sflag:s0] =	ssyncadd.remote.s32 $0x1  }
0xbe: {  	_ =	sfence.sel $0xFFFF  }
0xbf: {  	[dreg:$0x0] =	wrdreg $0xFFFFFFFF;
	(pc) =	sbr.abs _section_cstart, $3  }
0xc0: {  	[dreg:$0x1] =	wrdreg $0xFFFFFFFF  }
0xc1: {  	_ =	task.clear_ibuf [dreg:s6], $0x2FFFF;
	_ =	strace $0x9FFFFFFF  }
0xc2: {  	(tm) =	ssettm $0x7FFFFFFF  }
0xc3: {  	_ =	shalt  }
tec
execute0_lowered:
.L_overlay_start_1:
0x0: {  	(tag) =	ssettag $0x1  }
0x1: {  	s0 =	rddreg [dreg:$0x0]  }
0x2: {  	s1 =	rddreg [dreg:$0x1]  }
0x3: {  	s2 =	simm.s32 $0x0;
	s3 =	srdreg.scid;
	s4 =	stileid.u32  }
0x4: {  	s14 =	simm.s32 $0x80;
	s12 =	simm.s32 $0x4800;
	s13 =	simm.s32 $0x4A08  }
0x5: {  	s15 =	simm.s32 $0x4E18;
	s16 =	simm.s32 $0x5020;
	s17 =	simm.s32 $0x5228  }
0x6: {  	s18 =	simm.s32 $0x5430;
	s19 =	simm.s32 $0x5638;
	s20 =	simm.s32 $0x5840  }
0x7: {  	s21 =	simm.s32 $0x5A48;
	s22 =	simm.s32 $0x5C50;
	s11 =	simm.s32 $0x6060  }
0x8: {  	s28 =	simm.s32 $0x6678;
	s29 =	simm.s32 $0x4;
	s30 =	simm.s32 $0x5  }
0x9: {  	[smem:$0x7FF] =	sst s2;
	s6 =	sand.u32 $0x1, s3;
	s5 =	sshll.u32 s4, $0x1  }
0xa: {  	s3 =	sadd.s32 $0x600, s0;
	s7 =	sadd.s32 $0x80600, s0;
	_ =	strace $0x80000047  }
0xb: {  	[dreg:$0x3] =	wrdreg s7;
	s23 =	sor.u32 s6, s5;
	s8 =	ssub.s32 $0x2, s6  }
0xc: {  	p1 =	seq.s32 s6, $0x1;
	s5 =	sadd.s32 $0xB1400, s0;
	s6 =	sshll.u32 s6, $0x11  }
0xd: {  	p0 =	seq.s32 s23, $0x0;
	s24 =	sshrl.u32 s8, $0x1;
	s9 =	sshll.u32 s23, $0x11  }
0xe: {  	s7 =	sshll.u32 s23, $0xE;
	s23 =	simm.s32 $0x5E58;
	p0 =	por !p0, !p1  }
0xf: {  	s0 =	ssub.s32 s8, s24;
	s8 =	simm.s32 $0x1;
	s7 =	sadd.s32 s3, s7  }
0x10: {  	s26 =	sor.u32 $0x400, s9;
	s31 =	sor.u32 $0x600, s9;
	[dreg:$0x4] =	wrdreg s7  }
0x11: {  	s24 =	simm.s32 $0x2;
	p0 =	por !p0, !p0;
	[dreg:$0x6] =	wrdreg s26  }
0x12: {  	v0 =	vlaneseq.u32;
	s7 =	sadd.s32 $0x40, s7;
	[dreg:$0x8] =	wrdreg s31;
	s0 =	smax.u32 s0, $0x1  }
0x13: {  	v0 =	vmul.u32 $0x208, v0;
	s26 =	simm.s32 $0x6470;
	s8 =	simm.s32 @!p0 $0x0;
	[dreg:$0x5] =	wrdreg s7  }
0x14: {  	v1 =	vimm.s32 $0x0;
	vm0 =	vcmask $0x300;
	p0 =	sne.s32 s4, $0x0;
	[dreg:$0x9] =	wrdreg s0;
	s8 =	ssub.s32 s4, s8  }
0x15: {  	v1 =	vsel vm0, $0x3, v1;
	v2 =	vor.u32 $0x1, v0;
	s7 =	simm.s32 $0x4C10;
	s0 =	sshrl.u32 @!p0 s1, $0x3;
	s25 =	sshll.u32 s8, $0x16  }
0x16: {  	v3 =	vor.u32 $0x2, v0;
	v4 =	vor.u32 $0x3, v0;
	v5 =	vor.u32 $0x4, v0;
	s4 =	simm.s32 $0x0;
	[dreg:$0xa] =	wrdreg s0;
	s6 =	sor.u32 s6, s25  }
0x17: {  	v6 =	vor.u32 $0x5, v0;
	v7 =	vor.u32 $0x6, v0;
	v8 =	vor.u32 $0x7, v0;
	s8 =	simm.s32 $0x3;
	s25 =	simm.s32 $0x6268;
	[dreg:$0x7] =	wrdreg s6  }
.LBB2_1:
0x18: {  	[dreg:$0xb] =	wrdreg s4  }
0x19: {  	s4 =	rddreg [dreg:$0x3]  }
0x1a: {  	s0 =	simm.s32 @!p0 $0x1C06;
	s6 =	rddreg [dreg:$0xa]  }
0x1b: {  	[spmem:s6], [sflag:s0] =	dma.local @!p0 [hbm:s4], $0x30D40  }
0x1c: {  	s0 =	simm.s32 @!p0 $0x6  }
0x1d: {  	_ =	swait.ge @!p0 [sflag:s0], $0x30D40  }
0x1e: {  	[sflag:s0] =	ssyncset.done @!p0 $0x0  }
0x1f: {  	[sflag:s0] =	ssyncadd.s32 @!p0 $0xFFFCF2C0  }
0x20: {  	[bflag:$0x0] =	sbarrier.arrive $0xFFFF  }
0x21: {  	s6 =	simm.s32 $0x1;
	s4 =	rddreg [dreg:$0x4]  }
0x22: {  	[tilespmem:s2], [sflag:$0x1] =	stream.linear.gather [hbm4b:s4+s2], $0x200, $0x38;
	[tilespmem:$0x1EF20] =	vst v63  }
0x23: {  	_ =	swait.ge [sflag:s6], $0x200  }
0x24: {  	[sflag:s6] =	ssyncset.done $0x0  }
0x25: {  	[sflag:s6] =	ssyncadd.s32 $0xFFFFFE00  }
0x26: {  	v9 =	vld [tilespmem:$0x0]  }
0x27: {  	v10 =	vld [tilespmem:$0x10]  }
0x28: {  	v11 =	vld [tilespmem:$0x20]  }
0x29: {  	v12 =	vld [tilespmem:$0x30]  }
0x2a: {  	v13 =	vld [tilespmem:$0x40]  }
0x2b: {  	v14 =	vld [tilespmem:$0x50]  }
0x2c: {  	v15 =	vld [tilespmem:$0x60]  }
0x2d: {  	v16 =	vld [tilespmem:$0x70]  }
0x2e: {  	v17 =	vld [tilespmem:$0x80]  }
0x2f: {  	v18 =	vld [tilespmem:$0x90]  }
0x30: {  	v19 =	vld [tilespmem:$0xA0]  }
0x31: {  	v20 =	vld [tilespmem:$0xB0]  }
0x32: {  	v21 =	vld [tilespmem:$0xC0]  }
0x33: {  	v22 =	vld [tilespmem:$0xD0]  }
0x34: {  	v24 =	vld [tilespmem:$0xF0]  }
0x35: {  	v25 =	vld [tilespmem:$0x100]  }
0x36: {  	v31 =	vld [tilespmem:$0x110]  }
0x37: {  	v33 =	vld [tilespmem:$0x120]  }
0x38: {  	v41 =	vld [tilespmem:$0x150];
	v9 =	vmul.f32 $9.999900000e+04, v9  }
0x39: {  	v44 =	vld [tilespmem:$0x170];
	v10 =	vmul.f32 $9.999900000e+04, v10;
	v11 =	vmul.f32 $9.999900000e+04, v11  }
0x3a: {  	v45 =	vld [tilespmem:$0x180];
	v12 =	vmul.f32 $9.999900000e+04, v12;
	v13 =	vmul.f32 $9.999900000e+04, v13  }
0x3b: {  	v47 =	vld [tilespmem:$0x190];
	v14 =	vmul.f32 $9.999900000e+04, v14;
	v15 =	vmul.f32 $9.999900000e+04, v15  }
0x3c: {  	v49 =	vld [tilespmem:$0x1A0];
	v16 =	vmul.f32 $9.999900000e+04, v16;
	v17 =	vmul.f32 $9.999900000e+04, v17  }
0x3d: {  	v52 =	vld [tilespmem:$0x1C0];
	v18 =	vmul.f32 $9.999900000e+04, v18;
	v19 =	vmul.f32 $9.999900000e+04, v19  }
0x3e: {  	v56 =	vld [tilespmem:$0x1D0];
	v20 =	vmul.f32 $9.999900000e+04, v20;
	v21 =	vmul.f32 $9.999900000e+04, v21  }
0x3f: {  	v57 =	vld [tilespmem:$0x1E0];
	v30 =	vmul.f32 $9.999900000e+04, v22;
	v32 =	vmul.f32 $9.999900000e+04, v24  }
0x40: {  	v58 =	vld [tilespmem:$0x1F0];
	v36 =	vmul.f32 $9.999900000e+04, v25;
	v39 =	vmul.f32 $9.999900000e+04, v31  }
0x41: {  	v40 =	vmul.f32 $9.999900000e+04, v33;
	v46 =	vmul.f32 $9.999900000e+04, v41  }
0x42: {  	v48 =	vmul.f32 $9.999900000e+04, v44;
	v51 =	vmul.f32 $9.999900000e+04, v45  }
0x43: {  	v53 =	vmul.f32 $9.999900000e+04, v47;
	v55 =	vmul.f32 $9.999900000e+04, v49  }
0x44: {  	v59 =	vmul.f32 $9.999900000e+04, v52;
	v61 =	vmul.f32 $9.999900000e+04, v56  }
0x45: {  	v62 =	vmul.f32 $9.999900000e+04, v57;
	v63 =	vmul.f32 $9.999900000e+04, v58  }
0x46: {  	v9 =	vtrunc.f32 v9;
	v10 =	vtrunc.f32 v10  }
0x47: {  	v11 =	vtrunc.f32 v11;
	v12 =	vtrunc.f32 v12  }
0x48: {  	v13 =	vtrunc.f32 v13;
	v14 =	vtrunc.f32 v14  }
0x49: {  	v15 =	vtrunc.f32 v15;
	v9 =	vcvt.f32.s32 v9  }
0x4a: {  	v16 =	vtrunc.f32 v16;
	v10 =	vcvt.f32.s32 v10  }
0x4b: {  	v17 =	vtrunc.f32 v17;
	v11 =	vcvt.f32.s32 v11;
	[tilespmem:$0x400] =	vst v9  }
0x4c: {  	v18 =	vtrunc.f32 v18;
	v12 =	vcvt.f32.s32 v12;
	[tilespmem:$0x410] =	vst v10  }
0x4d: {  	v19 =	vtrunc.f32 v19;
	v13 =	vcvt.f32.s32 v13;
	[tilespmem:$0x420] =	vst v11  }
0x4e: {  	v20 =	vtrunc.f32 v20;
	v14 =	vcvt.f32.s32 v14;
	[tilespmem:$0x430] =	vst v12  }
0x4f: {  	v23 =	vld [tilespmem:$0xE0];
	v35 =	vtrunc.f32 v32;
	v15 =	vcvt.f32.s32 v15;
	[tilespmem:$0x440] =	vst v13  }
0x50: {  	v38 =	vtrunc.f32 v36;
	v16 =	vcvt.f32.s32 v16;
	[tilespmem:$0x450] =	vst v14  }
0x51: {  	v34 =	vld [tilespmem:$0x130];
	v42 =	vtrunc.f32 v39;
	v17 =	vcvt.f32.s32 v17;
	[tilespmem:$0x460] =	vst v15  }
0x52: {  	v37 =	vld [tilespmem:$0x140];
	v18 =	vcvt.f32.s32 v18;
	v19 =	vcvt.f32.s32 v19;
	[tilespmem:$0x470] =	vst v16  }
0x53: {  	v20 =	vcvt.f32.s32 v20;
	v9 =	vtrunc.f32 v21;
	[tilespmem:$0x480] =	vst v17  }
0x54: {  	v10 =	vmul.f32 $9.999900000e+04, v23;
	v11 =	vtrunc.f32 v30;
	[tilespmem:$0x490] =	vst v18  }
0x55: {  	v13 =	vcvt.f32.s32 v35;
	v15 =	vcvt.f32.s32 v38;
	[tilespmem:$0x4A0] =	vst v19  }
0x56: {  	v50 =	vld [tilespmem:$0x1B0];
	v12 =	vmul.f32 $9.999900000e+04, v34;
	v17 =	vcvt.f32.s32 v42;
	[tilespmem:$0x4B0] =	vst v20  }
0x57: {  	v16 =	vtrunc.f32 v40;
	v14 =	vmul.f32 $9.999900000e+04, v37;
	[tilespmem:$0x4F0] =	vst v13  }
0x58: {  	v43 =	vld [tilespmem:$0x160];
	v9 =	vcvt.f32.s32 v9;
	v11 =	vcvt.f32.s32 v11;
	[tilespmem:$0x500] =	vst v15  }
0x59: {  	v16 =	vcvt.f32.s32 v16;
	v10 =	vtrunc.f32 v10;
	[tilespmem:$0x510] =	vst v17  }
0x5a: {  	v12 =	vtrunc.f32 v12;
	v15 =	vtrunc.f32 v51;
	[tilespmem:$0x4C0] =	vst v9  }
0x5b: {  	v13 =	vmul.f32 $9.999900000e+04, v50;
	v10 =	vcvt.f32.s32 v10;
	[tilespmem:$0x4D0] =	vst v11  }
0x5c: {  	v12 =	vcvt.f32.s32 v12;
	v9 =	vtrunc.f32 v14;
	[tilespmem:$0x520] =	vst v16  }
0x5d: {  	v11 =	vmul.f32 $9.999900000e+04, v43;
	v54 =	vcvt.f32.s32 v15;
	[tilespmem:$0x4E0] =	vst v10  }
0x5e: {  	v14 =	vtrunc.f32 v48;
	v9 =	vcvt.f32.s32 v9;
	[tilespmem:$0x530] =	vst v12  }
0x5f: {  	v14 =	vcvt.f32.s32 v14;
	v10 =	vtrunc.f32 v46;
	[tilespmem:$0x580] =	vst v54  }
0x60: {  	v11 =	vtrunc.f32 v11;
	v10 =	vcvt.f32.s32 v10;
	[tilespmem:$0x540] =	vst v9  }
0x61: {  	v11 =	vcvt.f32.s32 v11;
	v9 =	vtrunc.f32 v53;
	[tilespmem:$0x570] =	vst v14  }
0x62: {  	v9 =	vcvt.f32.s32 v9;
	[tilespmem:$0x550] =	vst v10;
	v10 =	vtrunc.f32 v55  }
0x63: {  	[tilespmem:$0x560] =	vst v11;
	v11 =	vtrunc.f32 v13;
	v10 =	vcvt.f32.s32 v10  }
0x64: {  	v60 =	vtrunc.f32 v59;
	v11 =	vcvt.f32.s32 v11;
	[tilespmem:$0x590] =	vst v9  }
0x65: {  	v9 =	vcvt.f32.s32 v60;
	[tilespmem:$0x5A0] =	vst v10;
	v10 =	vtrunc.f32 v61  }
0x66: {  	[tilespmem:$0x5B0] =	vst v11;
	v11 =	vtrunc.f32 v62;
	v10 =	vcvt.f32.s32 v10  }
0x67: {  	[tilespmem:$0x5C0] =	vst v9;
	v9 =	vcvt.f32.s32 v11;
	v11 =	vtrunc.f32 v63  }
0x68: {  	[tilespmem:$0x5D0] =	vst v10;
	v10 =	vcvt.f32.s32 v11  }
0x69: {  	[tilespmem:$0x5E0] =	vst v9  }
0x6a: {  	s9 =	simm.s32 $0x400;
	s10 =	simm.s32 $0x800;
	[tilespmem:$0x5F0] =	vst v10  }
0x6b: {  	[tilespmem:s10], [sflag:$0x3] =	stream.indirect.gather [spmem:s1], $0x10, s9, s14, $0xb8;
	[tilespmem:$0x1EF20] =	vst v63  }
0x6c: {  	s4 =	simm.s32 $0x480;
	s6 =	simm.s32 $0x1000  }
0x6d: {  	[tilespmem:s6], [sflag:$0x3] =	stream.indirect.gather [spmem:s1], $0x10, s4, s14, $0xb8;
	[tilespmem:$0x1EF20] =	vst v63  }
0x6e: {  	s9 =	simm.s32 $0x500;
	s10 =	simm.s32 $0x1800  }
0x6f: {  	[tilespmem:s10], [sflag:$0x3] =	stream.indirect.gather [spmem:s1], $0x10, s9, s14, $0xb8;
	[tilespmem:$0x1EF20] =	vst v63  }
0x70: {  	s4 =	simm.s32 $0x580;
	s6 =	simm.s32 $0x2000  }
0x71: {  	[tilespmem:s6], [sflag:$0x3] =	stream.indirect.gather [spmem:s1], $0x10, s4, s14, $0xb8;
	[tilespmem:$0x1EF20] =	vst v63  }
0x72: {  	s31 =	simm.s32 $0x0;
	s9 =	rddreg [dreg:$0x5];
	s10 =	simm.s32 $0x200  }
0x73: {  	[tilespmem:s10], [sflag:$0x2] =	stream.linear.gather [hbm4b:s9+s2], $0x200, $0x38;
	[tilespmem:$0x1EF20] =	vst v63  }
.LBB2_2:
0x74: {  	_ =	swait.ge [sflag:s24], $0x200  }
0x75: {  	[sflag:s24] =	ssyncset.done $0x0  }
0x76: {  	[sflag:s24] =	ssyncadd.s32 $0xFFFFFE00  }
0x77: {  	v9 =	vld [tilespmem:$0x200]  }
0x78: {  	v10 =	vld [tilespmem:$0x210]  }
0x79: {  	v11 =	vld [tilespmem:$0x220]  }
0x7a: {  	v12 =	vld [tilespmem:$0x230]  }
0x7b: {  	v13 =	vld [tilespmem:$0x240]  }
0x7c: {  	v14 =	vld [tilespmem:$0x250]  }
0x7d: {  	v15 =	vld [tilespmem:$0x260]  }
0x7e: {  	v16 =	vld [tilespmem:$0x270]  }
0x7f: {  	v17 =	vld [tilespmem:$0x280]  }
0x80: {  	v18 =	vld [tilespmem:$0x290]  }
0x81: {  	v19 =	vld [tilespmem:$0x2A0]  }
0x82: {  	v20 =	vld [tilespmem:$0x2B0]  }
0x83: {  	v21 =	vld [tilespmem:$0x2C0]  }
0x84: {  	v22 =	vld [tilespmem:$0x2D0]  }
0x85: {  	v24 =	vld [tilespmem:$0x2F0]  }
0x86: {  	v25 =	vld [tilespmem:$0x300]  }
0x87: {  	v31 =	vld [tilespmem:$0x310]  }
0x88: {  	v33 =	vld [tilespmem:$0x320]  }
0x89: {  	v41 =	vld [tilespmem:$0x350];
	v9 =	vmul.f32 $9.999900000e+04, v9  }
0x8a: {  	v44 =	vld [tilespmem:$0x370];
	v10 =	vmul.f32 $9.999900000e+04, v10;
	v11 =	vmul.f32 $9.999900000e+04, v11  }
0x8b: {  	v45 =	vld [tilespmem:$0x380];
	v12 =	vmul.f32 $9.999900000e+04, v12;
	v13 =	vmul.f32 $9.999900000e+04, v13  }
0x8c: {  	v47 =	vld [tilespmem:$0x390];
	v14 =	vmul.f32 $9.999900000e+04, v14;
	v15 =	vmul.f32 $9.999900000e+04, v15  }
0x8d: {  	v49 =	vld [tilespmem:$0x3A0];
	v16 =	vmul.f32 $9.999900000e+04, v16;
	v17 =	vmul.f32 $9.999900000e+04, v17  }
0x8e: {  	v52 =	vld [tilespmem:$0x3C0];
	v18 =	vmul.f32 $9.999900000e+04, v18;
	v19 =	vmul.f32 $9.999900000e+04, v19  }
0x8f: {  	v56 =	vld [tilespmem:$0x3D0];
	v20 =	vmul.f32 $9.999900000e+04, v20;
	v21 =	vmul.f32 $9.999900000e+04, v21  }
0x90: {  	v57 =	vld [tilespmem:$0x3E0];
	v30 =	vmul.f32 $9.999900000e+04, v22;
	v32 =	vmul.f32 $9.999900000e+04, v24  }
0x91: {  	v58 =	vld [tilespmem:$0x3F0];
	v36 =	vmul.f32 $9.999900000e+04, v25;
	v39 =	vmul.f32 $9.999900000e+04, v31  }
0x92: {  	v40 =	vmul.f32 $9.999900000e+04, v33;
	v46 =	vmul.f32 $9.999900000e+04, v41  }
0x93: {  	v48 =	vmul.f32 $9.999900000e+04, v44;
	v51 =	vmul.f32 $9.999900000e+04, v45  }
0x94: {  	v53 =	vmul.f32 $9.999900000e+04, v47;
	v55 =	vmul.f32 $9.999900000e+04, v49  }
0x95: {  	v59 =	vmul.f32 $9.999900000e+04, v52;
	v61 =	vmul.f32 $9.999900000e+04, v56  }
0x96: {  	v62 =	vmul.f32 $9.999900000e+04, v57;
	v63 =	vmul.f32 $9.999900000e+04, v58  }
0x97: {  	v9 =	vtrunc.f32 v9;
	v10 =	vtrunc.f32 v10  }
0x98: {  	v11 =	vtrunc.f32 v11;
	v12 =	vtrunc.f32 v12  }
0x99: {  	v13 =	vtrunc.f32 v13;
	v14 =	vtrunc.f32 v14  }
0x9a: {  	v15 =	vtrunc.f32 v15;
	v9 =	vcvt.f32.s32 v9  }
0x9b: {  	v16 =	vtrunc.f32 v16;
	v10 =	vcvt.f32.s32 v10  }
0x9c: {  	v17 =	vtrunc.f32 v17;
	v11 =	vcvt.f32.s32 v11;
	[tilespmem:$0x600] =	vst v9  }
0x9d: {  	v18 =	vtrunc.f32 v18;
	v12 =	vcvt.f32.s32 v12;
	[tilespmem:$0x610] =	vst v10  }
0x9e: {  	v19 =	vtrunc.f32 v19;
	v13 =	vcvt.f32.s32 v13;
	[tilespmem:$0x620] =	vst v11  }
0x9f: {  	v20 =	vtrunc.f32 v20;
	v14 =	vcvt.f32.s32 v14;
	[tilespmem:$0x630] =	vst v12  }
0xa0: {  	v23 =	vld [tilespmem:$0x2E0];
	v35 =	vtrunc.f32 v32;
	v15 =	vcvt.f32.s32 v15;
	[tilespmem:$0x640] =	vst v13  }
0xa1: {  	v38 =	vtrunc.f32 v36;
	v16 =	vcvt.f32.s32 v16;
	[tilespmem:$0x650] =	vst v14  }
0xa2: {  	v34 =	vld [tilespmem:$0x330];
	v42 =	vtrunc.f32 v39;
	v17 =	vcvt.f32.s32 v17;
	[tilespmem:$0x660] =	vst v15  }
0xa3: {  	v37 =	vld [tilespmem:$0x340];
	v18 =	vcvt.f32.s32 v18;
	v19 =	vcvt.f32.s32 v19;
	[tilespmem:$0x670] =	vst v16  }
0xa4: {  	v20 =	vcvt.f32.s32 v20;
	v9 =	vtrunc.f32 v21;
	[tilespmem:$0x680] =	vst v17  }
0xa5: {  	v10 =	vmul.f32 $9.999900000e+04, v23;
	v11 =	vtrunc.f32 v30;
	[tilespmem:$0x690] =	vst v18  }
0xa6: {  	v13 =	vcvt.f32.s32 v35;
	v15 =	vcvt.f32.s32 v38;
	[tilespmem:$0x6A0] =	vst v19  }
0xa7: {  	v50 =	vld [tilespmem:$0x3B0];
	v12 =	vmul.f32 $9.999900000e+04, v34;
	v17 =	vcvt.f32.s32 v42;
	[tilespmem:$0x6B0] =	vst v20  }
0xa8: {  	v16 =	vtrunc.f32 v40;
	v14 =	vmul.f32 $9.999900000e+04, v37;
	[tilespmem:$0x6F0] =	vst v13  }
0xa9: {  	v43 =	vld [tilespmem:$0x360];
	v9 =	vcvt.f32.s32 v9;
	v11 =	vcvt.f32.s32 v11;
	[tilespmem:$0x700] =	vst v15  }
0xaa: {  	v16 =	vcvt.f32.s32 v16;
	v10 =	vtrunc.f32 v10;
	[tilespmem:$0x710] =	vst v17  }
0xab: {  	v12 =	vtrunc.f32 v12;
	v15 =	vtrunc.f32 v51;
	[tilespmem:$0x6C0] =	vst v9  }
0xac: {  	v13 =	vmul.f32 $9.999900000e+04, v50;
	v10 =	vcvt.f32.s32 v10;
	[tilespmem:$0x6D0] =	vst v11  }
0xad: {  	v12 =	vcvt.f32.s32 v12;
	v9 =	vtrunc.f32 v14;
	[tilespmem:$0x720] =	vst v16  }
0xae: {  	v11 =	vmul.f32 $9.999900000e+04, v43;
	v54 =	vcvt.f32.s32 v15;
	[tilespmem:$0x6E0] =	vst v10  }
0xaf: {  	v14 =	vtrunc.f32 v48;
	v9 =	vcvt.f32.s32 v9;
	[tilespmem:$0x730] =	vst v12  }
0xb0: {  	v14 =	vcvt.f32.s32 v14;
	v10 =	vtrunc.f32 v46;
	[tilespmem:$0x780] =	vst v54  }
0xb1: {  	v11 =	vtrunc.f32 v11;
	v10 =	vcvt.f32.s32 v10;
	[tilespmem:$0x740] =	vst v9  }
0xb2: {  	v11 =	vcvt.f32.s32 v11;
	v9 =	vtrunc.f32 v53;
	[tilespmem:$0x770] =	vst v14  }
0xb3: {  	v9 =	vcvt.f32.s32 v9;
	[tilespmem:$0x750] =	vst v10;
	v10 =	vtrunc.f32 v55  }
0xb4: {  	[tilespmem:$0x760] =	vst v11;
	v11 =	vtrunc.f32 v13;
	v10 =	vcvt.f32.s32 v10  }
0xb5: {  	v60 =	vtrunc.f32 v59;
	v11 =	vcvt.f32.s32 v11;
	[tilespmem:$0x790] =	vst v9  }
0xb6: {  	v9 =	vcvt.f32.s32 v60;
	[tilespmem:$0x7A0] =	vst v10;
	v10 =	vtrunc.f32 v61  }
0xb7: {  	[tilespmem:$0x7B0] =	vst v11;
	v11 =	vtrunc.f32 v62;
	v10 =	vcvt.f32.s32 v10  }
0xb8: {  	[tilespmem:$0x7C0] =	vst v9;
	v9 =	vcvt.f32.s32 v11;
	v11 =	vtrunc.f32 v63  }
0xb9: {  	[tilespmem:$0x7D0] =	vst v10;
	v10 =	vcvt.f32.s32 v11  }
0xba: {  	[tilespmem:$0x7E0] =	vst v9  }
0xbb: {  	s0 =	simm.s32 $0x600;
	s4 =	simm.s32 $0x2800;
	[tilespmem:$0x7F0] =	vst v10  }
0xbc: {  	[tilespmem:s4], [sflag:$0x4] =	stream.indirect.gather [spmem:s1], $0x10, s0, s14, $0xb8;
	[tilespmem:$0x1EF20] =	vst v63  }
0xbd: {  	s6 =	simm.s32 $0x3000;
	s4 =	simm.s32 $0x680  }
0xbe: {  	[tilespmem:s6], [sflag:$0x4] =	stream.indirect.gather [spmem:s1], $0x10, s4, s14, $0xb8;
	[tilespmem:$0x1EF20] =	vst v63  }
0xbf: {  	s9 =	simm.s32 $0x700;
	s10 =	simm.s32 $0x3800  }
0xc0: {  	[tilespmem:s10], [sflag:$0x4] =	stream.indirect.gather [spmem:s1], $0x10, s9, s14, $0xb8;
	[tilespmem:$0x1EF20] =	vst v63  }
0xc1: {  	s4 =	simm.s32 $0x780;
	s6 =	simm.s32 $0x4000  }
0xc2: {  	[tilespmem:s6], [sflag:$0x4] =	stream.indirect.gather [spmem:s1], $0x10, s4, s14, $0xb8;
	[tilespmem:$0x1EF20] =	vst v63  }
0xc3: {  	p1 =	seq.s32 s31, $0x7F;
	s0 =	sshll.u32 s31, $0xA;
	s4 =	rddreg [dreg:$0x6]  }
0xc4: {  	s4 =	sadd.s32 @!p1 s0, s4  }
0xc5: {  	s4 =	sshrl.u32 @!p1 s4, $0x3  }
0xc6: {  	s6 =	simm.s32 @!p1 $0x0;
	s4 =	sadd.s32 @!p1 s3, s4  }
0xc7: {  	[tilespmem:s6], [sflag:$0x1] =	stream.linear.gather @!p1 [hbm4b:s4+s6], $0x200, $0x38;
	[tilespmem:$0x1EF20] =	vst v63  }
0xc8: {  	s9 =	simm.s32 $0x0;
	_ =	swait.ge [sflag:s8], $0x2000  }
0xc9: {  	p2 =	seq.s32 s31, $0x0;
	v9 =	vmov s9;
	[sflag:s8] =	ssyncset.done $0x0  }
0xca: {  	v9 =	vshrl.u32 v9, $0x3;
	s4 =	simm.s32 @!p2 $0x5;
	[sflag:s8] =	ssyncadd.s32 $0xFFFFE000  }
0xcb: {  	v9 =	vshll.u32 v9, v1;
	_ =	swait.ge @!p2 [sflag:s4], $0x2000  }
0xcc: {  	v9 =	vbroadcast v9, $0x0;
	[sflag:s4] =	ssyncset.done @!p2 $0x0  }
0xcd: {  	[sflag:s4] =	ssyncadd.s32 @!p2 $0xFFFFE000;
	s4 =	simm.s32 $0x840  }
0xce: {  	s10 =	simm.s32 $0x1;
	v9 =	vadd.s32 v0, v9;
	v10 =	vld [tilespmem:s4+$0xFFFFFFC0]  }
0xcf: {  	v11 =	vmov s10  }
0xd0: {  	v11 =	vshrl.u32 v11, $0x3  }
0xd1: {  	v11 =	vshll.u32 v11, v1  }
0xd2: {  	v11 =	vbroadcast v11, $0x0  }
0xd3: {  	[tilespmem:v9+s12+$0x0] =	vst.idx.msk $0xffff, v10  }
0xd4: {  	s9 =	simm.s32 $0x2;
	v10 =	vadd.s32 v2, v11;
	v9 =	vld [tilespmem:s4+$0xFFFFFFD0]  }
0xd5: {  	v11 =	vmov s9  }
0xd6: {  	v11 =	vshrl.u32 v11, $0x3  }
0xd7: {  	v11 =	vshll.u32 v11, v1  }
0xd8: {  	v11 =	vbroadcast v11, $0x0  }
0xd9: {  	[tilespmem:v10+s12+$0x0] =	vst.idx.msk $0xffff, v9  }
0xda: {  	s10 =	simm.s32 $0x3;
	v10 =	vadd.s32 v3, v11;
	v9 =	vld [tilespmem:s4+$0xFFFFFFE0]  }
0xdb: {  	v11 =	vmov s10  }
0xdc: {  	v11 =	vshrl.u32 v11, $0x3  }
0xdd: {  	v11 =	vshll.u32 v11, v1  }
0xde: {  	v11 =	vbroadcast v11, $0x0  }
0xdf: {  	[tilespmem:v10+s12+$0x0] =	vst.idx.msk $0xffff, v9  }
0xe0: {  	s9 =	simm.s32 $0x4;
	v10 =	vadd.s32 v4, v11;
	v9 =	vld [tilespmem:s4+$0xFFFFFFF0]  }
0xe1: {  	v11 =	vmov s9  }
0xe2: {  	v11 =	vshrl.u32 v11, $0x3  }
0xe3: {  	v11 =	vshll.u32 v11, v1  }
0xe4: {  	v11 =	vbroadcast v11, $0x0  }
0xe5: {  	[tilespmem:v10+s12+$0x0] =	vst.idx.msk $0xffff, v9  }
0xe6: {  	s10 =	simm.s32 $0x5;
	v10 =	vadd.s32 v5, v11;
	v9 =	vld [tilespmem:s4+$0x0]  }
0xe7: {  	v11 =	vmov s10  }
0xe8: {  	v11 =	vshrl.u32 v11, $0x3  }
0xe9: {  	v11 =	vshll.u32 v11, v1  }
0xea: {  	v11 =	vbroadcast v11, $0x0  }
0xeb: {  	[tilespmem:v10+s12+$0x0] =	vst.idx.msk $0xffff, v9  }
0xec: {  	s9 =	simm.s32 $0x6;
	v10 =	vadd.s32 v6, v11;
	v9 =	vld [tilespmem:s4+$0x10]  }
0xed: {  	v11 =	vmov s9  }
0xee: {  	v11 =	vshrl.u32 v11, $0x3  }
0xef: {  	v11 =	vshll.u32 v11, v1  }
0xf0: {  	v11 =	vbroadcast v11, $0x0  }
0xf1: {  	[tilespmem:v10+s12+$0x0] =	vst.idx.msk $0xffff, v9  }
0xf2: {  	s10 =	simm.s32 $0x7;
	v10 =	vadd.s32 v7, v11;
	v9 =	vld [tilespmem:s4+$0x20]  }
0xf3: {  	v11 =	vmov s10  }
0xf4: {  	v11 =	vshrl.u32 v11, $0x3  }
0xf5: {  	v11 =	vshll.u32 v11, v1  }
0xf6: {  	v11 =	vbroadcast v11, $0x0  }
0xf7: {  	[tilespmem:v10+s12+$0x0] =	vst.idx.msk $0xffff, v9  }
0xf8: {  	s6 =	simm.s32 $0xF;
	s9 =	simm.s32 $0x17;
	s10 =	simm.s32 $0x8;
	v10 =	vadd.s32 v8, v11;
	v9 =	vld [tilespmem:s4+$0x30]  }
.LBB2_3:
0xf9: {  	p2 =	sne.s32 s9, $0x1FF;
	v11 =	vmov s10  }
0xfa: {  	v11 =	vshrl.u32 v11, $0x3  }
0xfb: {  	v11 =	vshll.u32 v11, v1  }
0xfc: {  	v11 =	vbroadcast v11, $0x0  }
0xfd: {  	s4 =	sadd.s32 $0x80, s4;
	[tilespmem:v10+s12+$0x0] =	vst.idx.msk $0xffff, v9  }
0xfe: {  	s10 =	sadd.s32 $0xFFFFFFFA, s6;
	v9 =	vld [tilespmem:s4+$0xFFFFFFC0];
	v10 =	vadd.s32 v0, v11  }
0xff: {  	v11 =	vmov s10  }
0x100: {  	v11 =	vshrl.u32 v11, $0x3  }
0x101: {  	v11 =	vshll.u32 v11, v1  }
0x102: {  	v11 =	vbroadcast v11, $0x0  }
0x103: {  	[tilespmem:v10+s12+$0x0] =	vst.idx.msk $0xffff, v9  }
0x104: {  	s10 =	sadd.s32 $0xFFFFFFFB, s6;
	v10 =	vadd.s32 v2, v11;
	v9 =	vld [tilespmem:s4+$0xFFFFFFD0]  }
0x105: {  	v11 =	vmov s10  }
0x106: {  	v11 =	vshrl.u32 v11, $0x3  }
0x107: {  	v11 =	vshll.u32 v11, v1  }
0x108: {  	v11 =	vbroadcast v11, $0x0  }
0x109: {  	[tilespmem:v10+s12+$0x0] =	vst.idx.msk $0xffff, v9  }
0x10a: {  	s10 =	sadd.s32 $0xFFFFFFFC, s6;
	v10 =	vadd.s32 v3, v11;
	v9 =	vld [tilespmem:s4+$0xFFFFFFE0]  }
0x10b: {  	v11 =	vmov s10  }
0x10c: {  	v11 =	vshrl.u32 v11, $0x3  }
0x10d: {  	v11 =	vshll.u32 v11, v1  }
0x10e: {  	v11 =	vbroadcast v11, $0x0  }
0x10f: {  	[tilespmem:v10+s12+$0x0] =	vst.idx.msk $0xffff, v9  }
0x110: {  	s10 =	sadd.s32 $0xFFFFFFFD, s6;
	v10 =	vadd.s32 v4, v11;
	v9 =	vld [tilespmem:s4+$0xFFFFFFF0]  }
0x111: {  	v11 =	vmov s10  }
0x112: {  	v11 =	vshrl.u32 v11, $0x3  }
0x113: {  	v11 =	vshll.u32 v11, v1  }
0x114: {  	v11 =	vbroadcast v11, $0x0  }
0x115: {  	[tilespmem:v10+s12+$0x0] =	vst.idx.msk $0xffff, v9  }
0x116: {  	s10 =	sadd.s32 $0xFFFFFFFE, s6;
	v10 =	vadd.s32 v5, v11;
	v9 =	vld [tilespmem:s4+$0x0]  }
0x117: {  	v11 =	vmov s10  }
0x118: {  	v11 =	vshrl.u32 v11, $0x3  }
0x119: {  	v11 =	vshll.u32 v11, v1  }
0x11a: {  	v11 =	vbroadcast v11, $0x0  }
0x11b: {  	[tilespmem:v10+s12+$0x0] =	vst.idx.msk $0xffff, v9  }
0x11c: {  	s10 =	sadd.s32 $0xFFFFFFFF, s6;
	v10 =	vadd.s32 v6, v11;
	v9 =	vld [tilespmem:s4+$0x10]  }
0x11d: {  	v11 =	vmov s10  }
0x11e: {  	v11 =	vshrl.u32 v11, $0x3  }
0x11f: {  	v11 =	vshll.u32 v11, v1  }
0x120: {  	v11 =	vbroadcast v11, $0x0  }
0x121: {  	[tilespmem:v10+s12+$0x0] =	vst.idx.msk $0xffff, v9  }
0x122: {  	v10 =	vadd.s32 v7, v11;
	v9 =	vld [tilespmem:s4+$0x20]  }
0x123: {  	v11 =	vmov s6;
	s6 =	smov.u32 s9  }
.Ltmp0:
0x124: {  	v11 =	vshrl.u32 v11, $0x3;
	(pc) =	sbr.rel @p2 .LBB2_3-.Ltmp0, $4  }
0x125: {  	v11 =	vshll.u32 v11, v1  }
0x126: {  	v11 =	vbroadcast v11, $0x0  }
0x127: {  	[tilespmem:v10+s12+$0x0] =	vst.idx.msk $0xffff, v9  }
0x128: {  	s9 =	sadd.s32 $0x8, s9;
	s10 =	sadd.s32 $0xFFFFFFF9, s6;
	v10 =	vadd.s32 v8, v11;
	v9 =	vld [tilespmem:s4+$0x30]  }
0x129: {  	v11 =	vmov s10  }
0x12a: {  	v11 =	vshrl.u32 v11, $0x3  }
0x12b: {  	v11 =	vshll.u32 v11, v1  }
0x12c: {  	v11 =	vbroadcast v11, $0x0  }
0x12d: {  	s4 =	sadd.s32 $0x80, s4;
	[tilespmem:v10+s12+$0x0] =	vst.idx.msk $0xffff, v9  }
0x12e: {  	s9 =	sadd.s32 $0xFFFFFFFA, s6;
	v9 =	vld [tilespmem:s4+$0xFFFFFFC0];
	v10 =	vadd.s32 v0, v11  }
0x12f: {  	v11 =	vmov s9  }
0x130: {  	v11 =	vshrl.u32 v11, $0x3  }
0x131: {  	v11 =	vshll.u32 v11, v1  }
0x132: {  	v11 =	vbroadcast v11, $0x0  }
0x133: {  	[tilespmem:v10+s12+$0x0] =	vst.idx.msk $0xffff, v9  }
0x134: {  	s10 =	sadd.s32 $0xFFFFFFFB, s6;
	v10 =	vadd.s32 v2, v11;
	v9 =	vld [tilespmem:s4+$0xFFFFFFD0]  }
0x135: {  	v11 =	vmov s10  }
0x136: {  	v11 =	vshrl.u32 v11, $0x3  }
0x137: {  	v11 =	vshll.u32 v11, v1  }
0x138: {  	v11 =	vbroadcast v11, $0x0  }
0x139: {  	[tilespmem:v10+s12+$0x0] =	vst.idx.msk $0xffff, v9  }
0x13a: {  	s10 =	sadd.s32 $0xFFFFFFFC, s6;
	v10 =	vadd.s32 v3, v11;
	v9 =	vld [tilespmem:s4+$0xFFFFFFE0]  }
0x13b: {  	v11 =	vmov s10  }
0x13c: {  	v11 =	vshrl.u32 v11, $0x3  }
0x13d: {  	v11 =	vshll.u32 v11, v1  }
0x13e: {  	v11 =	vbroadcast v11, $0x0  }
0x13f: {  	[tilespmem:v10+s12+$0x0] =	vst.idx.msk $0xffff, v9  }
0x140: {  	s10 =	sadd.s32 $0xFFFFFFFD, s6;
	v10 =	vadd.s32 v4, v11;
	v9 =	vld [tilespmem:s4+$0xFFFFFFF0]  }
0x141: {  	v11 =	vmov s10  }
0x142: {  	v11 =	vshrl.u32 v11, $0x3  }
0x143: {  	v11 =	vshll.u32 v11, v1  }
0x144: {  	v11 =	vbroadcast v11, $0x0  }
0x145: {  	[tilespmem:v10+s12+$0x0] =	vst.idx.msk $0xffff, v9  }
0x146: {  	s10 =	sadd.s32 $0xFFFFFFFE, s6;
	v10 =	vadd.s32 v5, v11;
	v9 =	vld [tilespmem:s4+$0x0]  }
0x147: {  	v11 =	vmov s10  }
0x148: {  	v11 =	vshrl.u32 v11, $0x3  }
0x149: {  	v11 =	vshll.u32 v11, v1  }
0x14a: {  	v11 =	vbroadcast v11, $0x0  }
0x14b: {  	[tilespmem:v10+s12+$0x0] =	vst.idx.msk $0xffff, v9  }
0x14c: {  	s10 =	sadd.s32 $0xFFFFFFFF, s6;
	v10 =	vadd.s32 v6, v11;
	v9 =	vld [tilespmem:s4+$0x10]  }
0x14d: {  	v11 =	vmov s10  }
0x14e: {  	v11 =	vshrl.u32 v11, $0x3  }
0x14f: {  	v11 =	vshll.u32 v11, v1  }
0x150: {  	v11 =	vbroadcast v11, $0x0  }
0x151: {  	[tilespmem:v10+s12+$0x0] =	vst.idx.msk $0xffff, v9  }
0x152: {  	v10 =	vadd.s32 v7, v11;
	v9 =	vld [tilespmem:s4+$0x20]  }
0x153: {  	v11 =	vmov s6  }
0x154: {  	v11 =	vshrl.u32 v11, $0x3  }
0x155: {  	v11 =	vshll.u32 v11, v1  }
0x156: {  	v11 =	vbroadcast v11, $0x0  }
0x157: {  	[tilespmem:v10+s12+$0x0] =	vst.idx.msk $0xffff, v9  }
0x158: {  	v10 =	vadd.s32 v8, v11;
	v9 =	vld [tilespmem:s4+$0x30];
	_ =	sdelay $0x1  }
0x159: {  	s9 =	rddreg [dreg:$0x7]  }
0x15a: {  	s4 =	sor.u32 s0, s9  }
0x15b: {  	s4 =	sshrl.u32 s4, $0x3  }
0x15c: {  	s6 =	sadd.s32 s5, s4;
	[tilespmem:v10+s12+$0x0] =	vst.idx.msk $0xffff, v9  }
0x15d: {  	[hbm4b:s6+s2] =	stream.linear.scatter [tilespmem:s12], [sflag:$0x5], $0x200, $0x38;
	[tilespmem:$0x1EF20] =	vst v63  }
0x15e: {  	s10 =	sadd.s32 $0x8000, s6  }
0x15f: {  	[hbm4b:s10+s2] =	stream.linear.scatter [tilespmem:s13], [sflag:$0x5], $0x200, $0x38;
	[tilespmem:$0x1EF20] =	vst v63  }
0x160: {  	s10 =	sadd.s32 $0x10000, s6  }
0x161: {  	[hbm4b:s10+s2] =	stream.linear.scatter [tilespmem:s7], [sflag:$0x5], $0x200, $0x38;
	[tilespmem:$0x1EF20] =	vst v63  }
0x162: {  	s10 =	sadd.s32 $0x18000, s6  }
0x163: {  	[hbm4b:s10+s2] =	stream.linear.scatter [tilespmem:s15], [sflag:$0x5], $0x200, $0x38;
	[tilespmem:$0x1EF20] =	vst v63  }
0x164: {  	s10 =	sadd.s32 $0x20000, s6  }
0x165: {  	[hbm4b:s10+s2] =	stream.linear.scatter [tilespmem:s16], [sflag:$0x5], $0x200, $0x38;
	[tilespmem:$0x1EF20] =	vst v63  }
0x166: {  	s10 =	sadd.s32 $0x28000, s6  }
0x167: {  	[hbm4b:s10+s2] =	stream.linear.scatter [tilespmem:s17], [sflag:$0x5], $0x200, $0x38;
	[tilespmem:$0x1EF20] =	vst v63  }
0x168: {  	s10 =	sadd.s32 $0x30000, s6  }
0x169: {  	[hbm4b:s10+s2] =	stream.linear.scatter [tilespmem:s18], [sflag:$0x5], $0x200, $0x38;
	[tilespmem:$0x1EF20] =	vst v63  }
0x16a: {  	s10 =	sadd.s32 $0x38000, s6  }
0x16b: {  	[hbm4b:s10+s2] =	stream.linear.scatter [tilespmem:s19], [sflag:$0x5], $0x200, $0x38;
	[tilespmem:$0x1EF20] =	vst v63  }
0x16c: {  	s10 =	sadd.s32 $0x40000, s6  }
0x16d: {  	[hbm4b:s10+s2] =	stream.linear.scatter [tilespmem:s20], [sflag:$0x5], $0x200, $0x38;
	[tilespmem:$0x1EF20] =	vst v63  }
0x16e: {  	s10 =	sadd.s32 $0x48000, s6  }
0x16f: {  	[hbm4b:s10+s2] =	stream.linear.scatter [tilespmem:s21], [sflag:$0x5], $0x200, $0x38;
	[tilespmem:$0x1EF20] =	vst v63  }
0x170: {  	s10 =	sadd.s32 $0x50000, s6  }
0x171: {  	[hbm4b:s10+s2] =	stream.linear.scatter [tilespmem:s22], [sflag:$0x5], $0x200, $0x38;
	[tilespmem:$0x1EF20] =	vst v63  }
0x172: {  	s10 =	sadd.s32 $0x58000, s6  }
0x173: {  	[hbm4b:s10+s2] =	stream.linear.scatter [tilespmem:s23], [sflag:$0x5], $0x200, $0x38;
	[tilespmem:$0x1EF20] =	vst v63  }
0x174: {  	s10 =	sadd.s32 $0x60000, s6  }
0x175: {  	[hbm4b:s10+s2] =	stream.linear.scatter [tilespmem:s11], [sflag:$0x5], $0x200, $0x38;
	[tilespmem:$0x1EF20] =	vst v63  }
0x176: {  	s10 =	sadd.s32 $0x68000, s6  }
0x177: {  	[hbm4b:s10+s2] =	stream.linear.scatter [tilespmem:s25], [sflag:$0x5], $0x200, $0x38;
	[tilespmem:$0x1EF20] =	vst v63  }
.Ltmp1:
0x178: {  	_ = 	snop;
	(pc) =	sbr.rel @p1 .LBB2_6-.Ltmp1, $4  }
0x179: {  	s10 =	sadd.s32 $0x70000, s6  }
0x17a: {  	[hbm4b:s10+s2] =	stream.linear.scatter [tilespmem:s26], [sflag:$0x5], $0x200, $0x38;
	[tilespmem:$0x1EF20] =	vst v63  }
0x17b: {  	s6 =	sadd.s32 $0x78000, s6  }
0x17c: {  	[hbm4b:s6+s2] =	stream.linear.scatter [tilespmem:s28], [sflag:$0x5], $0x200, $0x38;
	[tilespmem:$0x1EF20] =	vst v63  }
0x17d: {  	s6 =	simm.s32 $0x1  }
0x17e: {  	_ =	swait.ge [sflag:s6], $0x200  }
0x17f: {  	[sflag:s6] =	ssyncset.done $0x0  }
0x180: {  	[sflag:s6] =	ssyncadd.s32 $0xFFFFFE00  }
0x181: {  	v9 =	vld [tilespmem:$0x0]  }
0x182: {  	v10 =	vld [tilespmem:$0x10]  }
0x183: {  	v11 =	vld [tilespmem:$0x20]  }
0x184: {  	v12 =	vld [tilespmem:$0x30]  }
0x185: {  	v13 =	vld [tilespmem:$0x40]  }
0x186: {  	v14 =	vld [tilespmem:$0x50]  }
0x187: {  	v15 =	vld [tilespmem:$0x60]  }
0x188: {  	v16 =	vld [tilespmem:$0x70]  }
0x189: {  	v17 =	vld [tilespmem:$0x80]  }
0x18a: {  	v18 =	vld [tilespmem:$0x90]  }
0x18b: {  	v19 =	vld [tilespmem:$0xA0]  }
0x18c: {  	v20 =	vld [tilespmem:$0xB0]  }
0x18d: {  	v21 =	vld [tilespmem:$0xC0]  }
0x18e: {  	v22 =	vld [tilespmem:$0xD0]  }
0x18f: {  	v24 =	vld [tilespmem:$0xF0]  }
0x190: {  	v25 =	vld [tilespmem:$0x100]  }
0x191: {  	v31 =	vld [tilespmem:$0x110]  }
0x192: {  	v33 =	vld [tilespmem:$0x120]  }
0x193: {  	v41 =	vld [tilespmem:$0x150];
	v9 =	vmul.f32 $9.999900000e+04, v9  }
0x194: {  	v44 =	vld [tilespmem:$0x170];
	v10 =	vmul.f32 $9.999900000e+04, v10;
	v11 =	vmul.f32 $9.999900000e+04, v11  }
0x195: {  	v45 =	vld [tilespmem:$0x180];
	v12 =	vmul.f32 $9.999900000e+04, v12;
	v13 =	vmul.f32 $9.999900000e+04, v13  }
0x196: {  	v47 =	vld [tilespmem:$0x190];
	v14 =	vmul.f32 $9.999900000e+04, v14;
	v15 =	vmul.f32 $9.999900000e+04, v15  }
0x197: {  	v49 =	vld [tilespmem:$0x1A0];
	v16 =	vmul.f32 $9.999900000e+04, v16;
	v17 =	vmul.f32 $9.999900000e+04, v17  }
0x198: {  	v52 =	vld [tilespmem:$0x1C0];
	v18 =	vmul.f32 $9.999900000e+04, v18;
	v19 =	vmul.f32 $9.999900000e+04, v19  }
0x199: {  	v56 =	vld [tilespmem:$0x1D0];
	v20 =	vmul.f32 $9.999900000e+04, v20;
	v21 =	vmul.f32 $9.999900000e+04, v21  }
0x19a: {  	v57 =	vld [tilespmem:$0x1E0];
	v30 =	vmul.f32 $9.999900000e+04, v22;
	v32 =	vmul.f32 $9.999900000e+04, v24  }
0x19b: {  	v58 =	vld [tilespmem:$0x1F0];
	v36 =	vmul.f32 $9.999900000e+04, v25;
	v39 =	vmul.f32 $9.999900000e+04, v31  }
0x19c: {  	v40 =	vmul.f32 $9.999900000e+04, v33;
	v46 =	vmul.f32 $9.999900000e+04, v41  }
0x19d: {  	v48 =	vmul.f32 $9.999900000e+04, v44;
	v51 =	vmul.f32 $9.999900000e+04, v45  }
0x19e: {  	v53 =	vmul.f32 $9.999900000e+04, v47;
	v55 =	vmul.f32 $9.999900000e+04, v49  }
0x19f: {  	v59 =	vmul.f32 $9.999900000e+04, v52;
	v61 =	vmul.f32 $9.999900000e+04, v56  }
0x1a0: {  	v62 =	vmul.f32 $9.999900000e+04, v57;
	v63 =	vmul.f32 $9.999900000e+04, v58  }
0x1a1: {  	v9 =	vtrunc.f32 v9;
	v10 =	vtrunc.f32 v10  }
0x1a2: {  	v11 =	vtrunc.f32 v11;
	v12 =	vtrunc.f32 v12  }
0x1a3: {  	v13 =	vtrunc.f32 v13;
	v14 =	vtrunc.f32 v14  }
0x1a4: {  	v15 =	vtrunc.f32 v15;
	v9 =	vcvt.f32.s32 v9  }
0x1a5: {  	v16 =	vtrunc.f32 v16;
	v10 =	vcvt.f32.s32 v10  }
0x1a6: {  	v17 =	vtrunc.f32 v17;
	v11 =	vcvt.f32.s32 v11;
	[tilespmem:$0x400] =	vst v9  }
0x1a7: {  	v18 =	vtrunc.f32 v18;
	v12 =	vcvt.f32.s32 v12;
	[tilespmem:$0x410] =	vst v10  }
0x1a8: {  	v19 =	vtrunc.f32 v19;
	v13 =	vcvt.f32.s32 v13;
	[tilespmem:$0x420] =	vst v11  }
0x1a9: {  	v20 =	vtrunc.f32 v20;
	v14 =	vcvt.f32.s32 v14;
	[tilespmem:$0x430] =	vst v12  }
0x1aa: {  	v23 =	vld [tilespmem:$0xE0];
	v35 =	vtrunc.f32 v32;
	v15 =	vcvt.f32.s32 v15;
	[tilespmem:$0x440] =	vst v13  }
0x1ab: {  	v38 =	vtrunc.f32 v36;
	v16 =	vcvt.f32.s32 v16;
	[tilespmem:$0x450] =	vst v14  }
0x1ac: {  	v34 =	vld [tilespmem:$0x130];
	v42 =	vtrunc.f32 v39;
	v17 =	vcvt.f32.s32 v17;
	[tilespmem:$0x460] =	vst v15  }
0x1ad: {  	v37 =	vld [tilespmem:$0x140];
	v18 =	vcvt.f32.s32 v18;
	v19 =	vcvt.f32.s32 v19;
	[tilespmem:$0x470] =	vst v16  }
0x1ae: {  	v20 =	vcvt.f32.s32 v20;
	v9 =	vtrunc.f32 v21;
	[tilespmem:$0x480] =	vst v17  }
0x1af: {  	v10 =	vmul.f32 $9.999900000e+04, v23;
	v11 =	vtrunc.f32 v30;
	[tilespmem:$0x490] =	vst v18  }
0x1b0: {  	v13 =	vcvt.f32.s32 v35;
	v15 =	vcvt.f32.s32 v38;
	[tilespmem:$0x4A0] =	vst v19  }
0x1b1: {  	v50 =	vld [tilespmem:$0x1B0];
	v12 =	vmul.f32 $9.999900000e+04, v34;
	v17 =	vcvt.f32.s32 v42;
	[tilespmem:$0x4B0] =	vst v20  }
0x1b2: {  	v16 =	vtrunc.f32 v40;
	v14 =	vmul.f32 $9.999900000e+04, v37;
	[tilespmem:$0x4F0] =	vst v13  }
0x1b3: {  	v43 =	vld [tilespmem:$0x160];
	v9 =	vcvt.f32.s32 v9;
	v11 =	vcvt.f32.s32 v11;
	[tilespmem:$0x500] =	vst v15  }
0x1b4: {  	v16 =	vcvt.f32.s32 v16;
	v10 =	vtrunc.f32 v10;
	[tilespmem:$0x510] =	vst v17  }
0x1b5: {  	v12 =	vtrunc.f32 v12;
	v15 =	vtrunc.f32 v51;
	[tilespmem:$0x4C0] =	vst v9  }
0x1b6: {  	v13 =	vmul.f32 $9.999900000e+04, v50;
	v10 =	vcvt.f32.s32 v10;
	[tilespmem:$0x4D0] =	vst v11  }
0x1b7: {  	v12 =	vcvt.f32.s32 v12;
	v9 =	vtrunc.f32 v14;
	[tilespmem:$0x520] =	vst v16  }
0x1b8: {  	v11 =	vmul.f32 $9.999900000e+04, v43;
	v54 =	vcvt.f32.s32 v15;
	[tilespmem:$0x4E0] =	vst v10  }
0x1b9: {  	v14 =	vtrunc.f32 v48;
	v9 =	vcvt.f32.s32 v9;
	[tilespmem:$0x530] =	vst v12  }
0x1ba: {  	v14 =	vcvt.f32.s32 v14;
	v10 =	vtrunc.f32 v46;
	[tilespmem:$0x580] =	vst v54  }
0x1bb: {  	v11 =	vtrunc.f32 v11;
	v10 =	vcvt.f32.s32 v10;
	[tilespmem:$0x540] =	vst v9  }
0x1bc: {  	v11 =	vcvt.f32.s32 v11;
	v9 =	vtrunc.f32 v53;
	[tilespmem:$0x570] =	vst v14  }
0x1bd: {  	v9 =	vcvt.f32.s32 v9;
	[tilespmem:$0x550] =	vst v10;
	v10 =	vtrunc.f32 v55  }
0x1be: {  	[tilespmem:$0x560] =	vst v11;
	v11 =	vtrunc.f32 v13;
	v10 =	vcvt.f32.s32 v10  }
0x1bf: {  	v60 =	vtrunc.f32 v59;
	v11 =	vcvt.f32.s32 v11;
	[tilespmem:$0x590] =	vst v9  }
0x1c0: {  	v9 =	vcvt.f32.s32 v60;
	[tilespmem:$0x5A0] =	vst v10;
	v10 =	vtrunc.f32 v61  }
0x1c1: {  	[tilespmem:$0x5B0] =	vst v11;
	v11 =	vtrunc.f32 v62;
	v10 =	vcvt.f32.s32 v10  }
0x1c2: {  	[tilespmem:$0x5C0] =	vst v9;
	v9 =	vcvt.f32.s32 v11;
	v11 =	vtrunc.f32 v63  }
0x1c3: {  	[tilespmem:$0x5D0] =	vst v10;
	v10 =	vcvt.f32.s32 v11  }
0x1c4: {  	[tilespmem:$0x5E0] =	vst v9  }
0x1c5: {  	s10 =	simm.s32 $0x400;
	s9 =	simm.s32 $0x800;
	[tilespmem:$0x5F0] =	vst v10  }
0x1c6: {  	[tilespmem:s9], [sflag:$0x3] =	stream.indirect.gather [spmem:s1], $0x10, s10, s14, $0xb8;
	[tilespmem:$0x1EF20] =	vst v63  }
0x1c7: {  	s9 =	simm.s32 $0x480;
	s10 =	simm.s32 $0x1000  }
0x1c8: {  	[tilespmem:s10], [sflag:$0x3] =	stream.indirect.gather [spmem:s1], $0x10, s9, s14, $0xb8;
	[tilespmem:$0x1EF20] =	vst v63  }
0x1c9: {  	s9 =	simm.s32 $0x500;
	s10 =	simm.s32 $0x1800  }
0x1ca: {  	[tilespmem:s10], [sflag:$0x3] =	stream.indirect.gather [spmem:s1], $0x10, s9, s14, $0xb8;
	[tilespmem:$0x1EF20] =	vst v63  }
0x1cb: {  	s9 =	simm.s32 $0x580;
	s10 =	simm.s32 $0x2000  }
0x1cc: {  	[tilespmem:s10], [sflag:$0x3] =	stream.indirect.gather [spmem:s1], $0x10, s9, s14, $0xb8;
	[tilespmem:$0x1EF20] =	vst v63  }
0x1cd: {  	s9 =	rddreg [dreg:$0x8]  }
0x1ce: {  	s0 =	sadd.s32 s0, s9  }
0x1cf: {  	s0 =	sshrl.u32 s0, $0x3  }
0x1d0: {  	s10 =	simm.s32 $0x200;
	s0 =	sadd.s32 s3, s0  }
0x1d1: {  	[tilespmem:s10], [sflag:$0x2] =	stream.linear.gather [hbm4b:s0+s2], $0x200, $0x38;
	[tilespmem:$0x1EF20] =	vst v63  }
.LBB2_6:
0x1d2: {  	_ =	swait.ge [sflag:s29], $0x2000;
	s0 =	simm.s32 $0x0  }
0x1d3: {  	[sflag:s29] =	ssyncset.done $0x0;
	v9 =	vmov s0  }
0x1d4: {  	[sflag:s29] =	ssyncadd.s32 $0xFFFFE000;
	v9 =	vshrl.u32 v9, $0x3  }
0x1d5: {  	_ =	swait.ge [sflag:s30], $0x2000;
	v9 =	vshll.u32 v9, v1  }
0x1d6: {  	[sflag:s30] =	ssyncset.done $0x0;
	v9 =	vbroadcast v9, $0x0  }
0x1d7: {  	s0 =	simm.s32 $0x2840;
	[sflag:s30] =	ssyncadd.s32 $0xFFFFE000  }
0x1d8: {  	s6 =	simm.s32 $0x1;
	v10 =	vld [tilespmem:s0+$0xFFFFFFC0];
	v9 =	vadd.s32 v0, v9  }
0x1d9: {  	v11 =	vmov s6  }
0x1da: {  	v11 =	vshrl.u32 v11, $0x3  }
0x1db: {  	v11 =	vshll.u32 v11, v1  }
0x1dc: {  	v11 =	vbroadcast v11, $0x0  }
0x1dd: {  	[tilespmem:v9+s12+$0x0] =	vst.idx.msk $0xffff, v10  }
0x1de: {  	s9 =	simm.s32 $0x2;
	v10 =	vadd.s32 v2, v11;
	v9 =	vld [tilespmem:s0+$0xFFFFFFD0]  }
0x1df: {  	v11 =	vmov s9  }
0x1e0: {  	v11 =	vshrl.u32 v11, $0x3  }
0x1e1: {  	v11 =	vshll.u32 v11, v1  }
0x1e2: {  	v11 =	vbroadcast v11, $0x0  }
0x1e3: {  	[tilespmem:v10+s12+$0x0] =	vst.idx.msk $0xffff, v9  }
0x1e4: {  	s10 =	simm.s32 $0x3;
	v10 =	vadd.s32 v3, v11;
	v9 =	vld [tilespmem:s0+$0xFFFFFFE0]  }
0x1e5: {  	v11 =	vmov s10  }
0x1e6: {  	v11 =	vshrl.u32 v11, $0x3  }
0x1e7: {  	v11 =	vshll.u32 v11, v1  }
0x1e8: {  	v11 =	vbroadcast v11, $0x0  }
0x1e9: {  	[tilespmem:v10+s12+$0x0] =	vst.idx.msk $0xffff, v9  }
0x1ea: {  	s9 =	simm.s32 $0x4;
	v10 =	vadd.s32 v4, v11;
	v9 =	vld [tilespmem:s0+$0xFFFFFFF0]  }
0x1eb: {  	v11 =	vmov s9  }
0x1ec: {  	v11 =	vshrl.u32 v11, $0x3  }
0x1ed: {  	v11 =	vshll.u32 v11, v1  }
0x1ee: {  	v11 =	vbroadcast v11, $0x0  }
0x1ef: {  	[tilespmem:v10+s12+$0x0] =	vst.idx.msk $0xffff, v9  }
0x1f0: {  	s10 =	simm.s32 $0x5;
	v10 =	vadd.s32 v5, v11;
	v9 =	vld [tilespmem:s0+$0x0]  }
0x1f1: {  	v11 =	vmov s10  }
0x1f2: {  	v11 =	vshrl.u32 v11, $0x3  }
0x1f3: {  	v11 =	vshll.u32 v11, v1  }
0x1f4: {  	v11 =	vbroadcast v11, $0x0  }
0x1f5: {  	[tilespmem:v10+s12+$0x0] =	vst.idx.msk $0xffff, v9  }
0x1f6: {  	s9 =	simm.s32 $0x6;
	v10 =	vadd.s32 v6, v11;
	v9 =	vld [tilespmem:s0+$0x10]  }
0x1f7: {  	v11 =	vmov s9  }
0x1f8: {  	v11 =	vshrl.u32 v11, $0x3  }
0x1f9: {  	v11 =	vshll.u32 v11, v1  }
0x1fa: {  	v11 =	vbroadcast v11, $0x0  }
0x1fb: {  	[tilespmem:v10+s12+$0x0] =	vst.idx.msk $0xffff, v9  }
0x1fc: {  	s10 =	simm.s32 $0x7;
	v10 =	vadd.s32 v7, v11;
	v9 =	vld [tilespmem:s0+$0x20]  }
0x1fd: {  	v11 =	vmov s10  }
0x1fe: {  	v11 =	vshrl.u32 v11, $0x3  }
0x1ff: {  	v11 =	vshll.u32 v11, v1  }
0x200: {  	v11 =	vbroadcast v11, $0x0  }
0x201: {  	[tilespmem:v10+s12+$0x0] =	vst.idx.msk $0xffff, v9  }
0x202: {  	s6 =	simm.s32 $0xF;
	s9 =	simm.s32 $0x17;
	s10 =	simm.s32 $0x8;
	v10 =	vadd.s32 v8, v11;
	v9 =	vld [tilespmem:s0+$0x30]  }
.LBB2_7:
0x203: {  	p1 =	sne.s32 s9, $0x1FF;
	v11 =	vmov s10  }
0x204: {  	v11 =	vshrl.u32 v11, $0x3  }
0x205: {  	v11 =	vshll.u32 v11, v1  }
0x206: {  	v11 =	vbroadcast v11, $0x0  }
0x207: {  	s0 =	sadd.s32 $0x80, s0;
	[tilespmem:v10+s12+$0x0] =	vst.idx.msk $0xffff, v9  }
0x208: {  	s10 =	sadd.s32 $0xFFFFFFFA, s6;
	v9 =	vld [tilespmem:s0+$0xFFFFFFC0];
	v10 =	vadd.s32 v0, v11  }
0x209: {  	v11 =	vmov s10  }
0x20a: {  	v11 =	vshrl.u32 v11, $0x3  }
0x20b: {  	v11 =	vshll.u32 v11, v1  }
0x20c: {  	v11 =	vbroadcast v11, $0x0  }
0x20d: {  	[tilespmem:v10+s12+$0x0] =	vst.idx.msk $0xffff, v9  }
0x20e: {  	s10 =	sadd.s32 $0xFFFFFFFB, s6;
	v10 =	vadd.s32 v2, v11;
	v9 =	vld [tilespmem:s0+$0xFFFFFFD0]  }
0x20f: {  	v11 =	vmov s10  }
0x210: {  	v11 =	vshrl.u32 v11, $0x3  }
0x211: {  	v11 =	vshll.u32 v11, v1  }
0x212: {  	v11 =	vbroadcast v11, $0x0  }
0x213: {  	[tilespmem:v10+s12+$0x0] =	vst.idx.msk $0xffff, v9  }
0x214: {  	s10 =	sadd.s32 $0xFFFFFFFC, s6;
	v10 =	vadd.s32 v3, v11;
	v9 =	vld [tilespmem:s0+$0xFFFFFFE0]  }
0x215: {  	v11 =	vmov s10  }
0x216: {  	v11 =	vshrl.u32 v11, $0x3  }
0x217: {  	v11 =	vshll.u32 v11, v1  }
0x218: {  	v11 =	vbroadcast v11, $0x0  }
0x219: {  	[tilespmem:v10+s12+$0x0] =	vst.idx.msk $0xffff, v9  }
0x21a: {  	s10 =	sadd.s32 $0xFFFFFFFD, s6;
	v10 =	vadd.s32 v4, v11;
	v9 =	vld [tilespmem:s0+$0xFFFFFFF0]  }
0x21b: {  	v11 =	vmov s10  }
0x21c: {  	v11 =	vshrl.u32 v11, $0x3  }
0x21d: {  	v11 =	vshll.u32 v11, v1  }
0x21e: {  	v11 =	vbroadcast v11, $0x0  }
0x21f: {  	[tilespmem:v10+s12+$0x0] =	vst.idx.msk $0xffff, v9  }
0x220: {  	s10 =	sadd.s32 $0xFFFFFFFE, s6;
	v10 =	vadd.s32 v5, v11;
	v9 =	vld [tilespmem:s0+$0x0]  }
0x221: {  	v11 =	vmov s10  }
0x222: {  	v11 =	vshrl.u32 v11, $0x3  }
0x223: {  	v11 =	vshll.u32 v11, v1  }
0x224: {  	v11 =	vbroadcast v11, $0x0  }
0x225: {  	[tilespmem:v10+s12+$0x0] =	vst.idx.msk $0xffff, v9  }
0x226: {  	s10 =	sadd.s32 $0xFFFFFFFF, s6;
	v10 =	vadd.s32 v6, v11;
	v9 =	vld [tilespmem:s0+$0x10]  }
0x227: {  	v11 =	vmov s10  }
0x228: {  	v11 =	vshrl.u32 v11, $0x3  }
0x229: {  	v11 =	vshll.u32 v11, v1  }
0x22a: {  	v11 =	vbroadcast v11, $0x0  }
0x22b: {  	[tilespmem:v10+s12+$0x0] =	vst.idx.msk $0xffff, v9  }
0x22c: {  	v10 =	vadd.s32 v7, v11;
	v9 =	vld [tilespmem:s0+$0x20]  }
0x22d: {  	v11 =	vmov s6;
	s6 =	smov.u32 s9  }
.Ltmp2:
0x22e: {  	v11 =	vshrl.u32 v11, $0x3;
	(pc) =	sbr.rel @p1 .LBB2_7-.Ltmp2, $4  }
0x22f: {  	v11 =	vshll.u32 v11, v1  }
0x230: {  	v11 =	vbroadcast v11, $0x0  }
0x231: {  	[tilespmem:v10+s12+$0x0] =	vst.idx.msk $0xffff, v9  }
0x232: {  	s9 =	sadd.s32 $0x8, s9;
	s10 =	sadd.s32 $0xFFFFFFF9, s6;
	v10 =	vadd.s32 v8, v11;
	v9 =	vld [tilespmem:s0+$0x30]  }
0x233: {  	v11 =	vmov s10  }
0x234: {  	v11 =	vshrl.u32 v11, $0x3  }
0x235: {  	v11 =	vshll.u32 v11, v1  }
0x236: {  	v11 =	vbroadcast v11, $0x0  }
0x237: {  	s0 =	sadd.s32 $0x80, s0;
	[tilespmem:v10+s12+$0x0] =	vst.idx.msk $0xffff, v9  }
0x238: {  	s9 =	sadd.s32 $0xFFFFFFFA, s6;
	v9 =	vld [tilespmem:s0+$0xFFFFFFC0];
	v10 =	vadd.s32 v0, v11  }
0x239: {  	v11 =	vmov s9  }
0x23a: {  	v11 =	vshrl.u32 v11, $0x3  }
0x23b: {  	v11 =	vshll.u32 v11, v1  }
0x23c: {  	v11 =	vbroadcast v11, $0x0  }
0x23d: {  	[tilespmem:v10+s12+$0x0] =	vst.idx.msk $0xffff, v9  }
0x23e: {  	s10 =	sadd.s32 $0xFFFFFFFB, s6;
	v10 =	vadd.s32 v2, v11;
	v9 =	vld [tilespmem:s0+$0xFFFFFFD0]  }
0x23f: {  	v11 =	vmov s10  }
0x240: {  	v11 =	vshrl.u32 v11, $0x3  }
0x241: {  	v11 =	vshll.u32 v11, v1  }
0x242: {  	v11 =	vbroadcast v11, $0x0  }
0x243: {  	[tilespmem:v10+s12+$0x0] =	vst.idx.msk $0xffff, v9  }
0x244: {  	s10 =	sadd.s32 $0xFFFFFFFC, s6;
	v10 =	vadd.s32 v3, v11;
	v9 =	vld [tilespmem:s0+$0xFFFFFFE0]  }
0x245: {  	v11 =	vmov s10  }
0x246: {  	v11 =	vshrl.u32 v11, $0x3  }
0x247: {  	v11 =	vshll.u32 v11, v1  }
0x248: {  	v11 =	vbroadcast v11, $0x0  }
0x249: {  	[tilespmem:v10+s12+$0x0] =	vst.idx.msk $0xffff, v9  }
0x24a: {  	s10 =	sadd.s32 $0xFFFFFFFD, s6;
	v10 =	vadd.s32 v4, v11;
	v9 =	vld [tilespmem:s0+$0xFFFFFFF0]  }
0x24b: {  	v11 =	vmov s10  }
0x24c: {  	v11 =	vshrl.u32 v11, $0x3  }
0x24d: {  	v11 =	vshll.u32 v11, v1  }
0x24e: {  	v11 =	vbroadcast v11, $0x0  }
0x24f: {  	[tilespmem:v10+s12+$0x0] =	vst.idx.msk $0xffff, v9  }
0x250: {  	s10 =	sadd.s32 $0xFFFFFFFE, s6;
	v10 =	vadd.s32 v5, v11;
	v9 =	vld [tilespmem:s0+$0x0]  }
0x251: {  	v11 =	vmov s10  }
0x252: {  	v11 =	vshrl.u32 v11, $0x3  }
0x253: {  	v11 =	vshll.u32 v11, v1  }
0x254: {  	v11 =	vbroadcast v11, $0x0  }
0x255: {  	[tilespmem:v10+s12+$0x0] =	vst.idx.msk $0xffff, v9  }
0x256: {  	s10 =	sadd.s32 $0xFFFFFFFF, s6;
	v10 =	vadd.s32 v6, v11;
	v9 =	vld [tilespmem:s0+$0x10]  }
0x257: {  	v11 =	vmov s10  }
0x258: {  	v11 =	vshrl.u32 v11, $0x3  }
0x259: {  	v11 =	vshll.u32 v11, v1  }
0x25a: {  	v11 =	vbroadcast v11, $0x0  }
0x25b: {  	[tilespmem:v10+s12+$0x0] =	vst.idx.msk $0xffff, v9  }
0x25c: {  	v10 =	vadd.s32 v7, v11;
	v9 =	vld [tilespmem:s0+$0x20]  }
0x25d: {  	v11 =	vmov s6  }
0x25e: {  	v11 =	vshrl.u32 v11, $0x3  }
0x25f: {  	v11 =	vshll.u32 v11, v1  }
0x260: {  	v11 =	vbroadcast v11, $0x0  }
0x261: {  	[tilespmem:v10+s12+$0x0] =	vst.idx.msk $0xffff, v9  }
0x262: {  	v10 =	vadd.s32 v8, v11;
	v9 =	vld [tilespmem:s0+$0x30];
	_ =	sdelay $0x3  }
0x263: {  	s0 =	sadd.s32 s4, s5  }
0x264: {  	s4 =	sadd.s32 $0x40, s0;
	[tilespmem:v10+s12+$0x0] =	vst.idx.msk $0xffff, v9  }
0x265: {  	[hbm4b:s4+s2] =	stream.linear.scatter [tilespmem:s12], [sflag:$0x5], $0x200, $0x38;
	[tilespmem:$0x1EF20] =	vst v63  }
0x266: {  	s9 =	sadd.s32 $0x8040, s0  }
0x267: {  	[hbm4b:s9+s2] =	stream.linear.scatter [tilespmem:s13], [sflag:$0x5], $0x200, $0x38;
	[tilespmem:$0x1EF20] =	vst v63  }
0x268: {  	s10 =	sadd.s32 $0x10040, s0  }
0x269: {  	[hbm4b:s10+s2] =	stream.linear.scatter [tilespmem:s7], [sflag:$0x5], $0x200, $0x38;
	[tilespmem:$0x1EF20] =	vst v63  }
0x26a: {  	s6 =	sadd.s32 $0x18040, s0  }
0x26b: {  	[hbm4b:s6+s2] =	stream.linear.scatter [tilespmem:s15], [sflag:$0x5], $0x200, $0x38;
	[tilespmem:$0x1EF20] =	vst v63  }
0x26c: {  	s9 =	sadd.s32 $0x20040, s0  }
0x26d: {  	[hbm4b:s9+s2] =	stream.linear.scatter [tilespmem:s16], [sflag:$0x5], $0x200, $0x38;
	[tilespmem:$0x1EF20] =	vst v63  }
0x26e: {  	s10 =	sadd.s32 $0x28040, s0  }
0x26f: {  	[hbm4b:s10+s2] =	stream.linear.scatter [tilespmem:s17], [sflag:$0x5], $0x200, $0x38;
	[tilespmem:$0x1EF20] =	vst v63  }
0x270: {  	s6 =	sadd.s32 $0x30040, s0  }
0x271: {  	[hbm4b:s6+s2] =	stream.linear.scatter [tilespmem:s18], [sflag:$0x5], $0x200, $0x38;
	[tilespmem:$0x1EF20] =	vst v63  }
0x272: {  	s9 =	sadd.s32 $0x38040, s0  }
0x273: {  	[hbm4b:s9+s2] =	stream.linear.scatter [tilespmem:s19], [sflag:$0x5], $0x200, $0x38;
	[tilespmem:$0x1EF20] =	vst v63  }
0x274: {  	s10 =	sadd.s32 $0x40040, s0  }
0x275: {  	[hbm4b:s10+s2] =	stream.linear.scatter [tilespmem:s20], [sflag:$0x5], $0x200, $0x38;
	[tilespmem:$0x1EF20] =	vst v63  }
0x276: {  	s6 =	sadd.s32 $0x48040, s0  }
0x277: {  	[hbm4b:s6+s2] =	stream.linear.scatter [tilespmem:s21], [sflag:$0x5], $0x200, $0x38;
	[tilespmem:$0x1EF20] =	vst v63  }
0x278: {  	s9 =	sadd.s32 $0x50040, s0  }
0x279: {  	[hbm4b:s9+s2] =	stream.linear.scatter [tilespmem:s22], [sflag:$0x5], $0x200, $0x38;
	[tilespmem:$0x1EF20] =	vst v63  }
0x27a: {  	s10 =	sadd.s32 $0x58040, s0  }
0x27b: {  	[hbm4b:s10+s2] =	stream.linear.scatter [tilespmem:s23], [sflag:$0x5], $0x200, $0x38;
	[tilespmem:$0x1EF20] =	vst v63  }
0x27c: {  	s31 =	sadd.s32 $0x1, s31;
	s6 =	sadd.s32 $0x60040, s0  }
0x27d: {  	[hbm4b:s6+s2] =	stream.linear.scatter [tilespmem:s11], [sflag:$0x5], $0x200, $0x38;
	[tilespmem:$0x1EF20] =	vst v63  }
0x27e: {  	p1 =	sne.s32 s31, $0x80;
	s9 =	sadd.s32 $0x68040, s0  }
0x27f: {  	[hbm4b:s9+s2] =	stream.linear.scatter [tilespmem:s25], [sflag:$0x5], $0x200, $0x38;
	[tilespmem:$0x1EF20] =	vst v63  }
.Ltmp3:
0x280: {  	_ = 	snop;
	(pc) =	sbr.rel @p1 .LBB2_2-.Ltmp3, $4  }
0x281: {  	s10 =	sadd.s32 $0x70040, s0  }
0x282: {  	[hbm4b:s10+s2] =	stream.linear.scatter [tilespmem:s26], [sflag:$0x5], $0x200, $0x38;
	[tilespmem:$0x1EF20] =	vst v63  }
0x283: {  	s0 =	sadd.s32 $0x78040, s0  }
0x284: {  	[hbm4b:s0+s2] =	stream.linear.scatter [tilespmem:s28], [sflag:$0x5], $0x200, $0x38;
	[tilespmem:$0x1EF20] =	vst v63  }
0x285: {  	_ =	swait.ge [sflag:s30], $0x2000  }
0x286: {  	s4 =	rddreg [dreg:$0xb]  }
0x287: {  	s0 =	rddreg [dreg:$0x9];
	s4 =	sadd.s32 $0x1, s4  }
0x288: {  	p1 =	sne.s32 s4, s0  }
.Ltmp4:
0x289: {  	_ = 	snop;
	(pc) =	sbr.rel @p1 .LBB2_1-.Ltmp4, $3  }
0x28a: {  	_ =	sdelay $0x1  }
0x28b: {  	[sflag:s30] =	ssyncset.done $0x0  }
0x28c: {  	[sflag:s30] =	ssyncadd.s32 $0xFFFFE000  }
0x28d: {  	_ =	sfence.sel $0x180000  }
0x28e: {  	[bflag:$0x0] =	sbarrier.arrive $0xFFFF  }
0x28f: {  	_ =	strace $0x90000047  }
0x290: {  	[bflag:$0x2] =	sbarrier.arrive $0xFFFF  }
0x291: {  	s0 =	rddreg [dreg:$0x2]  }
0x292: {  	s0 =	sadd.s32 @!p0 $0x100000, s0  }
0x293: {  	[sflag:s0] =	ssyncadd.tile.s32 @!p0 $0x1;
	_ =	shalt  }
.Lfunc_end2:
_tile_overlayer_lowered:
.L_overlay_start_2:
0x294: {  	(tag) =	ssettag $0x2  }
0x295: {  	s0 =	rddreg [dreg:$0x0];
	s2 =	stileid.u32  }
0x296: {  	s1 =	rddreg [dreg:$0x1];
	p0 =	sne.s32 s2, $0x0  }
0x297: {  	s3 =	rddreg [dreg:$0x2];
	[bflag:$0x3] =	sbarrier.arrive $0xFFFF;
	s2 =	simm.s32 @!p0 $0x1C06  }
0x298: {  	[timem:s3], [sflag:s2] =	dma.local @!p0 [hbm:s0], s1  }
0x299: {  	s0 =	simm.s32 @!p0 $0x6  }
0x29a: {  	_ =	swait.ge @!p0 [sflag:s0], s1  }
0x29b: {  	s1 =	ssub.s32 @!p0 $0x0, s1;
	[sflag:s0] =	ssyncset.done @!p0 $0x0  }
0x29c: {  	[sflag:s0] =	ssyncadd.s32 @!p0 s1  }
0x29d: {  	[bflag:$0x3] =	sbarrier.arrive $0xFFFF  }
0x29e: {  	_ =	shalt  }

</sc_bundles>
